<compile_context>
chip_gen: v7x
topology: tpu7x:2x2x1
jax: 0.10.2.dev20260603
libtpu: 0.0.44.dev20260713+nightly
codegen_flags: <defaults>
</compile_context>

<pallas_src>
import functools

import jax
import jax.numpy as jnp
from jax import lax
from jax.experimental import pallas as pl
from jax.experimental.pallas import tpu as pltpu
from jax.experimental.pallas import tpu_sc as plsc

_D = 64
_NC, _NS = 2, 16
_NW = _NC * _NS
_CHUNK = 128
_TBLK = 8192
_TILE = 4096
_EPS = 1e-5
_F32 = jnp.float32


def _transcat_body(gu, mu, gi, mi, out_ref):
    def pack(g, m):
        lo = lax.bitcast_convert_type(g[...].astype(jnp.bfloat16),
                                      jnp.uint16).astype(jnp.uint32)
        hi = lax.bitcast_convert_type(m[...].astype(jnp.bfloat16),
                                      jnp.uint16).astype(jnp.uint32)
        return lax.bitcast_convert_type(lo | (hi << 16), _F32)

    tu = jnp.transpose(pack(gu, mu), (1, 0))
    ti = jnp.transpose(pack(gi, mi), (1, 0))
    out_ref[...] = jnp.concatenate([tu, ti], axis=1)


def _transcat(gut, mut, git, mit):
    V = gut.shape[1]
    n = -(-V // _TBLK)
    return pl.pallas_call(
        _transcat_body,
        grid=(n,),
        in_specs=[pl.BlockSpec((_D, _TBLK), lambda i: (0, i))] * 4,
        out_specs=pl.BlockSpec((_TBLK, 2 * _D), lambda i: (i, 0)),
        out_shape=jax.ShapeDtypeStruct((V, 2 * _D), _F32),
    )(gut, mut, git, mit)


def _sc_gather_body(uidx, iidx, cat, out,
                    idxu_v, idxi_v, b0, b1, b2, b3, s0, s1, s2, s3):
    rpw = idxu_v.shape[0]
    cpt = rpw // _CHUNK
    wid = lax.axis_index("s") * _NC + lax.axis_index("c")
    base = wid * rpw
    pltpu.sync_copy(uidx.at[pl.ds(base, rpw)], idxu_v)
    pltpu.sync_copy(iidx.at[pl.ds(base, rpw)], idxi_v)

    bufs = (b0, b1, b2, b3)
    sems = (s0, s1, s2, s3)
    units = ([(idxu_v, 0, j) for j in range(cpt)]
             + [(idxi_v, _D, j) for j in range(cpt)])
    nbuf = len(bufs)
    copies = {}

    def fire(t):
        idxv, _, j = units[t]
        copies[t] = pltpu.async_copy(
            cat.at[idxv.at[pl.ds(j * _CHUNK, _CHUNK)]],
            bufs[t % nbuf], sems[t % nbuf])

    def drain(t):
        copies[t].wait()
        _, col, j = units[t]
        pltpu.sync_copy(
            bufs[t % nbuf].at[pl.ds(0, _CHUNK), pl.ds(col, _D)],
            out.at[pl.ds(base + j * _CHUNK, _CHUNK), pl.ds(col, _D)])

    for t in range(len(units)):
        if t >= nbuf:
            drain(t - nbuf)
        fire(t)
    for t in range(len(units) - nbuf, len(units)):
        drain(t)


def _accum_stats(i, y, st_ref):
    ps = jnp.sum(y, axis=0, keepdims=True)
    pq = jnp.sum(y * y, axis=0, keepdims=True)
    part = jnp.concatenate([ps, pq], axis=0)

    @pl.when(i == 0)
    def _():
        st_ref[...] = part

    @pl.when(i > 0)
    def _():
        st_ref[...] += part


def _bn_relu_from_stats(st_ref, n, g, be, y):
    mean = st_ref[0:1, :] * (1.0 / n)
    var = st_ref[1:2, :] * (1.0 / n) - mean * mean
    return jnp.maximum((y - mean) * lax.rsqrt(var + _EPS) * g + be, 0.0)


def _unpack_pair(w):
    u = lax.bitcast_convert_type(w, jnp.uint32)
    g = lax.bitcast_convert_type((u & 0xFFFF).astype(jnp.uint16), jnp.bfloat16)
    m = lax.bitcast_convert_type((u >> 16).astype(jnp.uint16), jnp.bfloat16)
    return g, m


def _dense_body(gth, w1ut, w1it, b1, g1, be1, w2t, b2, g2, be2,
                wg, wh, bo, out_ref, y1_s, xg_s, st1_s, y2_s, st2_s,
                *, n, tile):
    p = pl.program_id(0)
    i = pl.program_id(1)
    rows = pl.ds(i * tile, tile)
    bf16 = jnp.bfloat16

    @pl.when(p == 0)
    def _():
        gv = gth[...]
        ug, um = _unpack_pair(gv[:, :_D])
        ig, im = _unpack_pair(gv[:, _D:])
        y1 = (jnp.dot(um, w1ut[...], preferred_element_type=_F32)
              + jnp.dot(im, w1it[...], preferred_element_type=_F32)
              + b1[...])
        y1_s[rows, :] = y1.astype(bf16)
        xg_s[rows, :] = (ug.astype(_F32) * ig.astype(_F32)).astype(bf16)
        _accum_stats(i, y1, st1_s)

    @pl.when(p == 1)
    def _():
        h1 = _bn_relu_from_stats(st1_s, n, g1[...], be1[...],
                                 y1_s[rows, :].astype(_F32))
        y2 = jnp.dot(h1.astype(bf16), w2t[...],
                     preferred_element_type=_F32) + b2[...]
        y2_s[rows, :] = y2.astype(bf16)
        _accum_stats(i, y2, st2_s)

    @pl.when(p == 2)
    def _():
        h2 = _bn_relu_from_stats(st2_s, n, g2[...], be2[...],
                                 y2_s[rows, :].astype(_F32))
        s = (jnp.sum(xg_s[rows, :].astype(_F32) * wg[...], axis=1)
             + jnp.sum(h2 * wh[...], axis=1) + bo[0, 0])
        out_ref[...] = 1.0 / (1.0 + jnp.exp(-s))


def kernel(user_idx, item_idx, gmf_user, gmf_item, mlp_user, mlp_item,
           W1, b1, g1, be1, W2, b2, g2, be2, Wout, bout):
    B = user_idx.shape[0]
    uidx = user_idx.astype(jnp.int32)
    iidx = item_idx.astype(jnp.int32)

    cat = _transcat(gmf_user.T, mlp_user.T, gmf_item.T, mlp_item.T)

    rpw = B // _NW
    sc_gather = pl.kernel(
        _sc_gather_body,
        out_type=jax.ShapeDtypeStruct((B, 2 * _D), _F32),
        mesh=plsc.VectorSubcoreMesh(core_axis_name="c", subcore_axis_name="s",
                                    num_cores=_NC, num_subcores=_NS),
        compiler_params=pltpu.CompilerParams(use_tc_tiling_on_sc=False),
        scratch_types=(
            [pltpu.VMEM((rpw,), jnp.int32)] * 2
            + [pltpu.VMEM((_CHUNK, 2 * _D), _F32)] * 4
            + [pltpu.SemaphoreType.DMA] * 4
        ),
    )
    gath = sc_gather(uidx, iidx, cat)

    H1 = W1.shape[0]
    H2 = W2.shape[0]
    tile = _TILE
    nt = B // tile
    w1t = W1.T
    w2t = W2.T

    def full(a):
        return pl.BlockSpec(a.shape, lambda p, i: (0,) * a.ndim)

    gath_spec = pl.BlockSpec((tile, 2 * _D), lambda p, i: (i * (p == 0), 0))

    b1r, g1r, be1r = (v.reshape(1, -1) for v in (b1, g1, be1))
    b2r, g2r, be2r = (v.reshape(1, -1) for v in (b2, g2, be2))

    w1ut_b = w1t[:_D].astype(jnp.bfloat16)
    w1it_b = w1t[_D:].astype(jnp.bfloat16)
    w2t_b = w2t.astype(jnp.bfloat16)
    wg = Wout[:, :_D]
    wh = Wout[:, _D:]
    bor = bout.reshape(1, 1)
    out1 = pl.pallas_call(
        functools.partial(_dense_body, n=float(B), tile=tile),
        grid=(3, nt),
        in_specs=[gath_spec,
                  full(w1ut_b), full(w1it_b), full(b1r),
                  full(g1r), full(be1r), full(w2t_b), full(b2r),
                  full(g2r), full(be2r), full(wg), full(wh), full(bor)],
        out_specs=pl.BlockSpec((tile,), lambda p, i: (i,)),
        out_shape=jax.ShapeDtypeStruct((B,), _F32),
        scratch_shapes=[
            pltpu.VMEM((B, H1), jnp.bfloat16),
            pltpu.VMEM((B, _D), jnp.bfloat16),
            pltpu.VMEM((2, H1), _F32),
            pltpu.VMEM((B, H2), jnp.bfloat16),
            pltpu.VMEM((2, H2), _F32),
        ],
    )(gath, w1ut_b, w1it_b, b1r, g1r, be1r, w2t_b, b2r,
      g2r, be2r, wg, wh, bor)
    return out1

# --- scband reference (transcript-rebuilt; emitter-appended) ---
"""Pipeline reference for scband-nmf-51015621542012 (READ-ONLY COPY).

The authoritative reference and input builder live on the scoring server;
editing this copy changes nothing except your own understanding.
"""

import jax, jax.numpy as jnp
import numpy as np

B = 16384
NU = 100000
NI = 100000
D = 64
H1 = 128
H2 = 64


def setup_inputs(seed: int = 0) -> dict:
    key = jax.random.key(seed)
    ks = jax.random.split(key, 18)
    inp = {}
    inp['user_idx'] = jax.random.randint(ks[0], (B,), 0, NU, dtype=jnp.int64) if jax.config.jax_enable_x64 else jax.random.randint(ks[0], (B,), 0, NU, dtype=jnp.int32)
    inp['item_idx'] = jax.random.randint(ks[1], (B,), 0, NI, dtype=jnp.int32)
    inp['gmf_user'] = jax.random.normal(ks[2], (NU, D), dtype=jnp.float32) * 0.05
    inp['gmf_item'] = jax.random.normal(ks[3], (NI, D), dtype=jnp.float32) * 0.05
    inp['mlp_user'] = jax.random.normal(ks[4], (NU, D), dtype=jnp.float32) * 0.05
    inp['mlp_item'] = jax.random.normal(ks[5], (NI, D), dtype=jnp.float32) * 0.05
    inp['W1'] = jax.random.normal(ks[6], (H1, 2 * D), dtype=jnp.float32) * 0.05
    inp['b1'] = jnp.zeros((H1,), dtype=jnp.float32)
    inp['g1'] = jnp.ones((H1,), dtype=jnp.float32)
    inp['be1'] = jnp.zeros((H1,), dtype=jnp.float32)
    inp['W2'] = jax.random.normal(ks[7], (H2, H1), dtype=jnp.float32) * 0.05
    inp['b2'] = jnp.zeros((H2,), dtype=jnp.float32)
    inp['g2'] = jnp.ones((H2,), dtype=jnp.float32)
    inp['be2'] = jnp.zeros((H2,), dtype=jnp.float32)
    inp['Wout'] = jax.random.normal(ks[8], (1, D + H2), dtype=jnp.float32) * 0.05
    inp['bout'] = jnp.zeros((1,), dtype=jnp.float32)
    return inp


def _batchnorm(x, gamma, beta, eps=1e-5):
    mean = jnp.mean(x, axis=0, keepdims=True)
    var = jnp.var(x, axis=0, keepdims=True)
    return (x - mean) / jnp.sqrt(var + eps) * gamma + beta


def reference(user_idx, item_idx, gmf_user, gmf_item, mlp_user, mlp_item, W1, b1, g1, be1, W2, b2, g2, be2, Wout, bout):
    # GMF branch: embedding gathers + elementwise product
    u_g = jnp.take(gmf_user, user_idx, axis=0)
    i_g = jnp.take(gmf_item, item_idx, axis=0)
    x_gmf = u_g * i_g
    # MLP branch: embedding gathers + concat + Linear->BN->ReLU stack
    u_m = jnp.take(mlp_user, user_idx, axis=0)
    i_m = jnp.take(mlp_item, item_idx, axis=0)
    x = jnp.concatenate([u_m, i_m], axis=1)
    x = jax.nn.relu(_batchnorm(x @ W1.T + b1, g1, be1))
    x = jax.nn.relu(_batchnorm(x @ W2.T + b2, g2, be2))
    # NMF head: concat + Linear -> Identity (dropout_flag=False) -> Sigmoid -> squeeze
    z = jnp.concatenate([x_gmf, x], axis=1)
    out = jax.nn.sigmoid(z @ Wout.T + bout)
    return jnp.squeeze(out)

if __name__ == "__main__":
    import jax
    _d = setup_inputs()
    print(jax.jit(kernel)(*tuple(_d.values())))

</pallas_src>

<mosaic_0001>
#map = affine_map<(d0, d1) -> (0)>
#map1 = affine_map<(d0, d1) -> (0, 0)>
module attributes {stable_mosaic.version = 14 : i64} {
  func.func @_sc_gather_body(%arg0: i32, %arg1: i32, %arg2: memref<16384xi32, #tpu.memory_space<hbm>>, %arg3: memref<16384xi32, #tpu.memory_space<hbm>>, %arg4: memref<100000x128xf32, #tpu.memory_space<hbm>>, %arg5: memref<16384x128xf32, #tpu.memory_space<hbm>>, %arg6: memref<512xi32, #tpu.memory_space<vmem>>, %arg7: memref<512xi32, #tpu.memory_space<vmem>>, %arg8: memref<128x128xf32, #tpu.memory_space<vmem>>, %arg9: memref<128x128xf32, #tpu.memory_space<vmem>>, %arg10: memref<128x128xf32, #tpu.memory_space<vmem>>, %arg11: memref<128x128xf32, #tpu.memory_space<vmem>>, %arg12: memref<!tpu.dma_semaphore, #tpu.memory_space<semaphore_mem>>, %arg13: memref<!tpu.dma_semaphore, #tpu.memory_space<semaphore_mem>>, %arg14: memref<!tpu.dma_semaphore, #tpu.memory_space<semaphore_mem>>, %arg15: memref<!tpu.dma_semaphore, #tpu.memory_space<semaphore_mem>>) attributes {dimension_semantics = [#tpu.dimension_semantics<core_parallel>, #tpu.dimension_semantics<subcore_parallel>], iteration_bounds = array<i64: 2, 16>, scalar_prefetch = 0 : i64, scratch_operands = 10 : i64, tpu.core_type = #tpu.core_type<sc_vector_subcore>, window_params = [{transform_indices = #map}, {transform_indices = #map}, {transform_indices = #map1}, {transform_indices = #map1}]} {
    %mul3A = arith.constant 2 : i32
    %mul3A_0 = arith.muli %arg1, %mul3A : i32
    %add3A = arith.addi %mul3A_0, %arg0 : i32
    %mul3A_1 = arith.constant 512 : i32
    %mul3A_2 = arith.muli %add3A, %mul3A_1 : i32
    "tpu.region"() ({
      %run_scoped3A = tpu.sem_alloc : memref<!tpu.dma_semaphore, #tpu.memory_space<semaphore_mem>>
      %dma_start3A_97 = tpu.memref_slice %arg2[%mul3A_2] : memref<16384xi32, #tpu.memory_space<hbm>> -> memref<512xi32, #tpu.memory_space<hbm>>
      %dma_start3A_98 = tpu.memref_slice %arg2[%mul3A_2] : memref<16384xi32, #tpu.memory_space<hbm>> -> memref<512xi32, #tpu.memory_space<hbm>>
      tpu.enqueue_dma source(%dma_start3A_98 : memref<512xi32, #tpu.memory_space<hbm>>) target(%arg6 : memref<512xi32, #tpu.memory_space<vmem>>) target_semaphore(%run_scoped3A : memref<!tpu.dma_semaphore, #tpu.memory_space<semaphore_mem>>)
      %dma_wait3A_99 = tpu.memref_slice %arg2[%mul3A_2] : memref<16384xi32, #tpu.memory_space<hbm>> -> memref<512xi32, #tpu.memory_space<hbm>>
      %dma_wait3A_100 = tpu.memref_slice %arg2[%mul3A_2] : memref<16384xi32, #tpu.memory_space<hbm>> -> memref<512xi32, #tpu.memory_space<hbm>>
      tpu.wait_dma2 semaphore(%run_scoped3A : memref<!tpu.dma_semaphore, #tpu.memory_space<semaphore_mem>>) src(%dma_wait3A_100 : memref<512xi32, #tpu.memory_space<hbm>>) dst(%arg6 : memref<512xi32, #tpu.memory_space<vmem>>)
      tpu.yield
    }) : () -> ()
    "tpu.region"() ({
      %run_scoped3A = tpu.sem_alloc : memref<!tpu.dma_semaphore, #tpu.memory_space<semaphore_mem>>
      %dma_start3A_97 = tpu.memref_slice %arg3[%mul3A_2] : memref<16384xi32, #tpu.memory_space<hbm>> -> memref<512xi32, #tpu.memory_space<hbm>>
      %dma_start3A_98 = tpu.memref_slice %arg3[%mul3A_2] : memref<16384xi32, #tpu.memory_space<hbm>> -> memref<512xi32, #tpu.memory_space<hbm>>
      tpu.enqueue_dma source(%dma_start3A_98 : memref<512xi32, #tpu.memory_space<hbm>>) target(%arg7 : memref<512xi32, #tpu.memory_space<vmem>>) target_semaphore(%run_scoped3A : memref<!tpu.dma_semaphore, #tpu.memory_space<semaphore_mem>>)
      %dma_wait3A_99 = tpu.memref_slice %arg3[%mul3A_2] : memref<16384xi32, #tpu.memory_space<hbm>> -> memref<512xi32, #tpu.memory_space<hbm>>
      %dma_wait3A_100 = tpu.memref_slice %arg3[%mul3A_2] : memref<16384xi32, #tpu.memory_space<hbm>> -> memref<512xi32, #tpu.memory_space<hbm>>
      tpu.wait_dma2 semaphore(%run_scoped3A : memref<!tpu.dma_semaphore, #tpu.memory_space<semaphore_mem>>) src(%dma_wait3A_100 : memref<512xi32, #tpu.memory_space<hbm>>) dst(%arg7 : memref<512xi32, #tpu.memory_space<vmem>>)
      tpu.yield
    }) : () -> ()
    %dma_start3A = arith.constant 0 : i32
    %dma_start3A_3 = tpu.memref_slice %arg6[%dma_start3A] : memref<512xi32, #tpu.memory_space<vmem>> -> memref<128xi32, #tpu.memory_space<vmem>>
    %dma_start3A_4 = arith.constant 0 : i32
    %dma_start3A_5 = arith.constant 0 : i32
    %dma_start3A_6 = tpu.memref_slice %arg4[%dma_start3A_4, %dma_start3A_5] : memref<100000x128xf32, #tpu.memory_space<hbm>> -> memref<100000x128xf32, #tpu.memory_space<hbm>>
    tpu.enqueue_indirect_dma source(%dma_start3A_6 : memref<100000x128xf32, #tpu.memory_space<hbm>>) target(%arg8 : memref<128x128xf32, #tpu.memory_space<vmem>>) offsets(%dma_start3A_3 : memref<128xi32, #tpu.memory_space<vmem>>) semaphore(%arg12 : memref<!tpu.dma_semaphore, #tpu.memory_space<semaphore_mem>>)
    %dma_start3A_7 = arith.constant 128 : i32
    %dma_start3A_8 = tpu.memref_slice %arg6[%dma_start3A_7] : memref<512xi32, #tpu.memory_space<vmem>> -> memref<128xi32, #tpu.memory_space<vmem>>
    %dma_start3A_9 = arith.constant 0 : i32
    %dma_start3A_10 = arith.constant 0 : i32
    %dma_start3A_11 = tpu.memref_slice %arg4[%dma_start3A_9, %dma_start3A_10] : memref<100000x128xf32, #tpu.memory_space<hbm>> -> memref<100000x128xf32, #tpu.memory_space<hbm>>
    tpu.enqueue_indirect_dma source(%dma_start3A_11 : memref<100000x128xf32, #tpu.memory_space<hbm>>) target(%arg9 : memref<128x128xf32, #tpu.memory_space<vmem>>) offsets(%dma_start3A_8 : memref<128xi32, #tpu.memory_space<vmem>>) semaphore(%arg13 : memref<!tpu.dma_semaphore, #tpu.memory_space<semaphore_mem>>)
    %dma_start3A_12 = arith.constant 256 : i32
    %dma_start3A_13 = tpu.memref_slice %arg6[%dma_start3A_12] : memref<512xi32, #tpu.memory_space<vmem>> -> memref<128xi32, #tpu.memory_space<vmem>>
    %dma_start3A_14 = arith.constant 0 : i32
    %dma_start3A_15 = arith.constant 0 : i32
    %dma_start3A_16 = tpu.memref_slice %arg4[%dma_start3A_14, %dma_start3A_15] : memref<100000x128xf32, #tpu.memory_space<hbm>> -> memref<100000x128xf32, #tpu.memory_space<hbm>>
    tpu.enqueue_indirect_dma source(%dma_start3A_16 : memref<100000x128xf32, #tpu.memory_space<hbm>>) target(%arg10 : memref<128x128xf32, #tpu.memory_space<vmem>>) offsets(%dma_start3A_13 : memref<128xi32, #tpu.memory_space<vmem>>) semaphore(%arg14 : memref<!tpu.dma_semaphore, #tpu.memory_space<semaphore_mem>>)
    %dma_start3A_17 = arith.constant 384 : i32
    %dma_start3A_18 = tpu.memref_slice %arg6[%dma_start3A_17] : memref<512xi32, #tpu.memory_space<vmem>> -> memref<128xi32, #tpu.memory_space<vmem>>
    %dma_start3A_19 = arith.constant 0 : i32
    %dma_start3A_20 = arith.constant 0 : i32
    %dma_start3A_21 = tpu.memref_slice %arg4[%dma_start3A_19, %dma_start3A_20] : memref<100000x128xf32, #tpu.memory_space<hbm>> -> memref<100000x128xf32, #tpu.memory_space<hbm>>
    tpu.enqueue_indirect_dma source(%dma_start3A_21 : memref<100000x128xf32, #tpu.memory_space<hbm>>) target(%arg11 : memref<128x128xf32, #tpu.memory_space<vmem>>) offsets(%dma_start3A_18 : memref<128xi32, #tpu.memory_space<vmem>>) semaphore(%arg15 : memref<!tpu.dma_semaphore, #tpu.memory_space<semaphore_mem>>)
    %dma_wait3A = arith.constant 0 : i32
    %dma_wait3A_22 = tpu.memref_slice %arg6[%dma_wait3A] : memref<512xi32, #tpu.memory_space<vmem>> -> memref<128xi32, #tpu.memory_space<vmem>>
    %dma_wait3A_23 = arith.constant 0 : i32
    %dma_wait3A_24 = arith.constant 0 : i32
    %dma_wait3A_25 = tpu.memref_slice %arg4[%dma_wait3A_23, %dma_wait3A_24] : memref<100000x128xf32, #tpu.memory_space<hbm>> -> memref<100000x128xf32, #tpu.memory_space<hbm>>
    tpu.wait_indirect_dma semaphore(%arg12 : memref<!tpu.dma_semaphore, #tpu.memory_space<semaphore_mem>>) src(%dma_wait3A_25 : memref<100000x128xf32, #tpu.memory_space<hbm>>) dst(%arg8 : memref<128x128xf32, #tpu.memory_space<vmem>>)
    %add3A_26 = arith.constant 0 : i32
    %add3A_27 = arith.addi %mul3A_2, %add3A_26 : i32
    "tpu.region"() ({
      %run_scoped3A = tpu.sem_alloc : memref<!tpu.dma_semaphore, #tpu.memory_space<semaphore_mem>>
      %dma_start3A_97 = arith.constant 0 : i32
      %dma_start3A_98 = arith.constant 0 : i32
      %dma_start3A_99 = tpu.memref_slice %arg8[%dma_start3A_97, %dma_start3A_98] : memref<128x128xf32, #tpu.memory_space<vmem>> -> memref<128x64xf32, #tpu.memory_space<vmem>>
      %dma_start3A_100 = arith.constant 0 : i32
      %dma_start3A_101 = tpu.memref_slice %arg5[%add3A_27, %dma_start3A_100] : memref<16384x128xf32, #tpu.memory_space<hbm>> -> memref<128x64xf32, #tpu.memory_space<hbm>>
      %dma_start3A_102 = arith.constant 0 : i32
      %dma_start3A_103 = tpu.memref_slice %arg5[%add3A_27, %dma_start3A_102] : memref<16384x128xf32, #tpu.memory_space<hbm>> -> memref<128x64xf32, #tpu.memory_space<hbm>>
      %dma_start3A_104 = arith.constant 0 : i32
      %dma_start3A_105 = arith.constant 0 : i32
      %dma_start3A_106 = tpu.memref_slice %arg8[%dma_start3A_104, %dma_start3A_105] : memref<128x128xf32, #tpu.memory_space<vmem>> -> memref<128x64xf32, #tpu.memory_space<vmem>>
      tpu.enqueue_dma source(%dma_start3A_106 : memref<128x64xf32, #tpu.memory_space<vmem>>) target(%dma_start3A_103 : memref<128x64xf32, #tpu.memory_space<hbm>>) target_semaphore(%run_scoped3A : memref<!tpu.dma_semaphore, #tpu.memory_space<semaphore_mem>>)
      %dma_wait3A_107 = arith.constant 0 : i32
      %dma_wait3A_108 = arith.constant 0 : i32
      %dma_wait3A_109 = tpu.memref_slice %arg8[%dma_wait3A_107, %dma_wait3A_108] : memref<128x128xf32, #tpu.memory_space<vmem>> -> memref<128x64xf32, #tpu.memory_space<vmem>>
      %dma_wait3A_110 = arith.constant 0 : i32
      %dma_wait3A_111 = tpu.memref_slice %arg5[%add3A_27, %dma_wait3A_110] : memref<16384x128xf32, #tpu.memory_space<hbm>> -> memref<128x64xf32, #tpu.memory_space<hbm>>
      %dma_wait3A_112 = arith.constant 0 : i32
      %dma_wait3A_113 = tpu.memref_slice %arg5[%add3A_27, %dma_wait3A_112] : memref<16384x128xf32, #tpu.memory_space<hbm>> -> memref<128x64xf32, #tpu.memory_space<hbm>>
      %dma_wait3A_114 = arith.constant 0 : i32
      %dma_wait3A_115 = arith.constant 0 : i32
      %dma_wait3A_116 = tpu.memref_slice %arg8[%dma_wait3A_114, %dma_wait3A_115] : memref<128x128xf32, #tpu.memory_space<vmem>> -> memref<128x64xf32, #tpu.memory_space<vmem>>
      tpu.wait_dma2 semaphore(%run_scoped3A : memref<!tpu.dma_semaphore, #tpu.memory_space<semaphore_mem>>) src(%dma_wait3A_116 : memref<128x64xf32, #tpu.memory_space<vmem>>) dst(%dma_wait3A_113 : memref<128x64xf32, #tpu.memory_space<hbm>>)
      tpu.yield
    }) : () -> ()
    %dma_start3A_28 = arith.constant 0 : i32
    %dma_start3A_29 = tpu.memref_slice %arg7[%dma_start3A_28] : memref<512xi32, #tpu.memory_space<vmem>> -> memref<128xi32, #tpu.memory_space<vmem>>
    %dma_start3A_30 = arith.constant 0 : i32
    %dma_start3A_31 = arith.constant 0 : i32
    %dma_start3A_32 = tpu.memref_slice %arg4[%dma_start3A_30, %dma_start3A_31] : memref<100000x128xf32, #tpu.memory_space<hbm>> -> memref<100000x128xf32, #tpu.memory_space<hbm>>
    tpu.enqueue_indirect_dma source(%dma_start3A_32 : memref<100000x128xf32, #tpu.memory_space<hbm>>) target(%arg8 : memref<128x128xf32, #tpu.memory_space<vmem>>) offsets(%dma_start3A_29 : memref<128xi32, #tpu.memory_space<vmem>>) semaphore(%arg12 : memref<!tpu.dma_semaphore, #tpu.memory_space<semaphore_mem>>)
    %dma_wait3A_33 = arith.constant 128 : i32
    %dma_wait3A_34 = tpu.memref_slice %arg6[%dma_wait3A_33] : memref<512xi32, #tpu.memory_space<vmem>> -> memref<128xi32, #tpu.memory_space<vmem>>
    %dma_wait3A_35 = arith.constant 0 : i32
    %dma_wait3A_36 = arith.constant 0 : i32
    %dma_wait3A_37 = tpu.memref_slice %arg4[%dma_wait3A_35, %dma_wait3A_36] : memref<100000x128xf32, #tpu.memory_space<hbm>> -> memref<100000x128xf32, #tpu.memory_space<hbm>>
    tpu.wait_indirect_dma semaphore(%arg13 : memref<!tpu.dma_semaphore, #tpu.memory_space<semaphore_mem>>) src(%dma_wait3A_37 : memref<100000x128xf32, #tpu.memory_space<hbm>>) dst(%arg9 : memref<128x128xf32, #tpu.memory_space<vmem>>)
    %add3A_38 = arith.constant 128 : i32
    %add3A_39 = arith.addi %mul3A_2, %add3A_38 : i32
    "tpu.region"() ({
      %run_scoped3A = tpu.sem_alloc : memref<!tpu.dma_semaphore, #tpu.memory_space<semaphore_mem>>
      %dma_start3A_97 = arith.constant 0 : i32
      %dma_start3A_98 = arith.constant 0 : i32
      %dma_start3A_99 = tpu.memref_slice %arg9[%dma_start3A_97, %dma_start3A_98] : memref<128x128xf32, #tpu.memory_space<vmem>> -> memref<128x64xf32, #tpu.memory_space<vmem>>
      %dma_start3A_100 = arith.constant 0 : i32
      %dma_start3A_101 = tpu.memref_slice %arg5[%add3A_39, %dma_start3A_100] : memref<16384x128xf32, #tpu.memory_space<hbm>> -> memref<128x64xf32, #tpu.memory_space<hbm>>
      %dma_start3A_102 = arith.constant 0 : i32
      %dma_start3A_103 = tpu.memref_slice %arg5[%add3A_39, %dma_start3A_102] : memref<16384x128xf32, #tpu.memory_space<hbm>> -> memref<128x64xf32, #tpu.memory_space<hbm>>
      %dma_start3A_104 = arith.constant 0 : i32
      %dma_start3A_105 = arith.constant 0 : i32
      %dma_start3A_106 = tpu.memref_slice %arg9[%dma_start3A_104, %dma_start3A_105] : memref<128x128xf32, #tpu.memory_space<vmem>> -> memref<128x64xf32, #tpu.memory_space<vmem>>
      tpu.enqueue_dma source(%dma_start3A_106 : memref<128x64xf32, #tpu.memory_space<vmem>>) target(%dma_start3A_103 : memref<128x64xf32, #tpu.memory_space<hbm>>) target_semaphore(%run_scoped3A : memref<!tpu.dma_semaphore, #tpu.memory_space<semaphore_mem>>)
      %dma_wait3A_107 = arith.constant 0 : i32
      %dma_wait3A_108 = arith.constant 0 : i32
      %dma_wait3A_109 = tpu.memref_slice %arg9[%dma_wait3A_107, %dma_wait3A_108] : memref<128x128xf32, #tpu.memory_space<vmem>> -> memref<128x64xf32, #tpu.memory_space<vmem>>
      %dma_wait3A_110 = arith.constant 0 : i32
      %dma_wait3A_111 = tpu.memref_slice %arg5[%add3A_39, %dma_wait3A_110] : memref<16384x128xf32, #tpu.memory_space<hbm>> -> memref<128x64xf32, #tpu.memory_space<hbm>>
      %dma_wait3A_112 = arith.constant 0 : i32
      %dma_wait3A_113 = tpu.memref_slice %arg5[%add3A_39, %dma_wait3A_112] : memref<16384x128xf32, #tpu.memory_space<hbm>> -> memref<128x64xf32, #tpu.memory_space<hbm>>
      %dma_wait3A_114 = arith.constant 0 : i32
      %dma_wait3A_115 = arith.constant 0 : i32
      %dma_wait3A_116 = tpu.memref_slice %arg9[%dma_wait3A_114, %dma_wait3A_115] : memref<128x128xf32, #tpu.memory_space<vmem>> -> memref<128x64xf32, #tpu.memory_space<vmem>>
      tpu.wait_dma2 semaphore(%run_scoped3A : memref<!tpu.dma_semaphore, #tpu.memory_space<semaphore_mem>>) src(%dma_wait3A_116 : memref<128x64xf32, #tpu.memory_space<vmem>>) dst(%dma_wait3A_113 : memref<128x64xf32, #tpu.memory_space<hbm>>)
      tpu.yield
    }) : () -> ()
    %dma_start3A_40 = arith.constant 128 : i32
    %dma_start3A_41 = tpu.memref_slice %arg7[%dma_start3A_40] : memref<512xi32, #tpu.memory_space<vmem>> -> memref<128xi32, #tpu.memory_space<vmem>>
    %dma_start3A_42 = arith.constant 0 : i32
    %dma_start3A_43 = arith.constant 0 : i32
    %dma_start3A_44 = tpu.memref_slice %arg4[%dma_start3A_42, %dma_start3A_43] : memref<100000x128xf32, #tpu.memory_space<hbm>> -> memref<100000x128xf32, #tpu.memory_space<hbm>>
    tpu.enqueue_indirect_dma source(%dma_start3A_44 : memref<100000x128xf32, #tpu.memory_space<hbm>>) target(%arg9 : memref<128x128xf32, #tpu.memory_space<vmem>>) offsets(%dma_start3A_41 : memref<128xi32, #tpu.memory_space<vmem>>) semaphore(%arg13 : memref<!tpu.dma_semaphore, #tpu.memory_space<semaphore_mem>>)
    %dma_wait3A_45 = arith.constant 256 : i32
    %dma_wait3A_46 = tpu.memref_slice %arg6[%dma_wait3A_45] : memref<512xi32, #tpu.memory_space<vmem>> -> memref<128xi32, #tpu.memory_space<vmem>>
    %dma_wait3A_47 = arith.constant 0 : i32
    %dma_wait3A_48 = arith.constant 0 : i32
    %dma_wait3A_49 = tpu.memref_slice %arg4[%dma_wait3A_47, %dma_wait3A_48] : memref<100000x128xf32, #tpu.memory_space<hbm>> -> memref<100000x128xf32, #tpu.memory_space<hbm>>
    tpu.wait_indirect_dma semaphore(%arg14 : memref<!tpu.dma_semaphore, #tpu.memory_space<semaphore_mem>>) src(%dma_wait3A_49 : memref<100000x128xf32, #tpu.memory_space<hbm>>) dst(%arg10 : memref<128x128xf32, #tpu.memory_space<vmem>>)
    %add3A_50 = arith.constant 256 : i32
    %add3A_51 = arith.addi %mul3A_2, %add3A_50 : i32
    "tpu.region"() ({
      %run_scoped3A = tpu.sem_alloc : memref<!tpu.dma_semaphore, #tpu.memory_space<semaphore_mem>>
      %dma_start3A_97 = arith.constant 0 : i32
      %dma_start3A_98 = arith.constant 0 : i32
      %dma_start3A_99 = tpu.memref_slice %arg10[%dma_start3A_97, %dma_start3A_98] : memref<128x128xf32, #tpu.memory_space<vmem>> -> memref<128x64xf32, #tpu.memory_space<vmem>>
      %dma_start3A_100 = arith.constant 0 : i32
      %dma_start3A_101 = tpu.memref_slice %arg5[%add3A_51, %dma_start3A_100] : memref<16384x128xf32, #tpu.memory_space<hbm>> -> memref<128x64xf32, #tpu.memory_space<hbm>>
      %dma_start3A_102 = arith.constant 0 : i32
      %dma_start3A_103 = tpu.memref_slice %arg5[%add3A_51, %dma_start3A_102] : memref<16384x128xf32, #tpu.memory_space<hbm>> -> memref<128x64xf32, #tpu.memory_space<hbm>>
      %dma_start3A_104 = arith.constant 0 : i32
      %dma_start3A_105 = arith.constant 0 : i32
      %dma_start3A_106 = tpu.memref_slice %arg10[%dma_start3A_104, %dma_start3A_105] : memref<128x128xf32, #tpu.memory_space<vmem>> -> memref<128x64xf32, #tpu.memory_space<vmem>>
      tpu.enqueue_dma source(%dma_start3A_106 : memref<128x64xf32, #tpu.memory_space<vmem>>) target(%dma_start3A_103 : memref<128x64xf32, #tpu.memory_space<hbm>>) target_semaphore(%run_scoped3A : memref<!tpu.dma_semaphore, #tpu.memory_space<semaphore_mem>>)
      %dma_wait3A_107 = arith.constant 0 : i32
      %dma_wait3A_108 = arith.constant 0 : i32
      %dma_wait3A_109 = tpu.memref_slice %arg10[%dma_wait3A_107, %dma_wait3A_108] : memref<128x128xf32, #tpu.memory_space<vmem>> -> memref<128x64xf32, #tpu.memory_space<vmem>>
      %dma_wait3A_110 = arith.constant 0 : i32
      %dma_wait3A_111 = tpu.memref_slice %arg5[%add3A_51, %dma_wait3A_110] : memref<16384x128xf32, #tpu.memory_space<hbm>> -> memref<128x64xf32, #tpu.memory_space<hbm>>
      %dma_wait3A_112 = arith.constant 0 : i32
      %dma_wait3A_113 = tpu.memref_slice %arg5[%add3A_51, %dma_wait3A_112] : memref<16384x128xf32, #tpu.memory_space<hbm>> -> memref<128x64xf32, #tpu.memory_space<hbm>>
      %dma_wait3A_114 = arith.constant 0 : i32
      %dma_wait3A_115 = arith.constant 0 : i32
      %dma_wait3A_116 = tpu.memref_slice %arg10[%dma_wait3A_114, %dma_wait3A_115] : memref<128x128xf32, #tpu.memory_space<vmem>> -> memref<128x64xf32, #tpu.memory_space<vmem>>
      tpu.wait_dma2 semaphore(%run_scoped3A : memref<!tpu.dma_semaphore, #tpu.memory_space<semaphore_mem>>) src(%dma_wait3A_116 : memref<128x64xf32, #tpu.memory_space<vmem>>) dst(%dma_wait3A_113 : memref<128x64xf32, #tpu.memory_space<hbm>>)
      tpu.yield
    }) : () -> ()
    %dma_start3A_52 = arith.constant 256 : i32
    %dma_start3A_53 = tpu.memref_slice %arg7[%dma_start3A_52] : memref<512xi32, #tpu.memory_space<vmem>> -> memref<128xi32, #tpu.memory_space<vmem>>
    %dma_start3A_54 = arith.constant 0 : i32
    %dma_start3A_55 = arith.constant 0 : i32
    %dma_start3A_56 = tpu.memref_slice %arg4[%dma_start3A_54, %dma_start3A_55] : memref<100000x128xf32, #tpu.memory_space<hbm>> -> memref<100000x128xf32, #tpu.memory_space<hbm>>
    tpu.enqueue_indirect_dma source(%dma_start3A_56 : memref<100000x128xf32, #tpu.memory_space<hbm>>) target(%arg10 : memref<128x128xf32, #tpu.memory_space<vmem>>) offsets(%dma_start3A_53 : memref<128xi32, #tpu.memory_space<vmem>>) semaphore(%arg14 : memref<!tpu.dma_semaphore, #tpu.memory_space<semaphore_mem>>)
    %dma_wait3A_57 = arith.constant 384 : i32
    %dma_wait3A_58 = tpu.memref_slice %arg6[%dma_wait3A_57] : memref<512xi32, #tpu.memory_space<vmem>> -> memref<128xi32, #tpu.memory_space<vmem>>
    %dma_wait3A_59 = arith.constant 0 : i32
    %dma_wait3A_60 = arith.constant 0 : i32
    %dma_wait3A_61 = tpu.memref_slice %arg4[%dma_wait3A_59, %dma_wait3A_60] : memref<100000x128xf32, #tpu.memory_space<hbm>> -> memref<100000x128xf32, #tpu.memory_space<hbm>>
    tpu.wait_indirect_dma semaphore(%arg15 : memref<!tpu.dma_semaphore, #tpu.memory_space<semaphore_mem>>) src(%dma_wait3A_61 : memref<100000x128xf32, #tpu.memory_space<hbm>>) dst(%arg11 : memref<128x128xf32, #tpu.memory_space<vmem>>)
    %add3A_62 = arith.constant 384 : i32
    %add3A_63 = arith.addi %mul3A_2, %add3A_62 : i32
    "tpu.region"() ({
      %run_scoped3A = tpu.sem_alloc : memref<!tpu.dma_semaphore, #tpu.memory_space<semaphore_mem>>
      %dma_start3A_97 = arith.constant 0 : i32
      %dma_start3A_98 = arith.constant 0 : i32
      %dma_start3A_99 = tpu.memref_slice %arg11[%dma_start3A_97, %dma_start3A_98] : memref<128x128xf32, #tpu.memory_space<vmem>> -> memref<128x64xf32, #tpu.memory_space<vmem>>
      %dma_start3A_100 = arith.constant 0 : i32
      %dma_start3A_101 = tpu.memref_slice %arg5[%add3A_63, %dma_start3A_100] : memref<16384x128xf32, #tpu.memory_space<hbm>> -> memref<128x64xf32, #tpu.memory_space<hbm>>
      %dma_start3A_102 = arith.constant 0 : i32
      %dma_start3A_103 = tpu.memref_slice %arg5[%add3A_63, %dma_start3A_102] : memref<16384x128xf32, #tpu.memory_space<hbm>> -> memref<128x64xf32, #tpu.memory_space<hbm>>
      %dma_start3A_104 = arith.constant 0 : i32
      %dma_start3A_105 = arith.constant 0 : i32
      %dma_start3A_106 = tpu.memref_slice %arg11[%dma_start3A_104, %dma_start3A_105] : memref<128x128xf32, #tpu.memory_space<vmem>> -> memref<128x64xf32, #tpu.memory_space<vmem>>
      tpu.enqueue_dma source(%dma_start3A_106 : memref<128x64xf32, #tpu.memory_space<vmem>>) target(%dma_start3A_103 : memref<128x64xf32, #tpu.memory_space<hbm>>) target_semaphore(%run_scoped3A : memref<!tpu.dma_semaphore, #tpu.memory_space<semaphore_mem>>)
      %dma_wait3A_107 = arith.constant 0 : i32
      %dma_wait3A_108 = arith.constant 0 : i32
      %dma_wait3A_109 = tpu.memref_slice %arg11[%dma_wait3A_107, %dma_wait3A_108] : memref<128x128xf32, #tpu.memory_space<vmem>> -> memref<128x64xf32, #tpu.memory_space<vmem>>
      %dma_wait3A_110 = arith.constant 0 : i32
      %dma_wait3A_111 = tpu.memref_slice %arg5[%add3A_63, %dma_wait3A_110] : memref<16384x128xf32, #tpu.memory_space<hbm>> -> memref<128x64xf32, #tpu.memory_space<hbm>>
      %dma_wait3A_112 = arith.constant 0 : i32
      %dma_wait3A_113 = tpu.memref_slice %arg5[%add3A_63, %dma_wait3A_112] : memref<16384x128xf32, #tpu.memory_space<hbm>> -> memref<128x64xf32, #tpu.memory_space<hbm>>
      %dma_wait3A_114 = arith.constant 0 : i32
      %dma_wait3A_115 = arith.constant 0 : i32
      %dma_wait3A_116 = tpu.memref_slice %arg11[%dma_wait3A_114, %dma_wait3A_115] : memref<128x128xf32, #tpu.memory_space<vmem>> -> memref<128x64xf32, #tpu.memory_space<vmem>>
      tpu.wait_dma2 semaphore(%run_scoped3A : memref<!tpu.dma_semaphore, #tpu.memory_space<semaphore_mem>>) src(%dma_wait3A_116 : memref<128x64xf32, #tpu.memory_space<vmem>>) dst(%dma_wait3A_113 : memref<128x64xf32, #tpu.memory_space<hbm>>)
      tpu.yield
    }) : () -> ()
    %dma_start3A_64 = arith.constant 384 : i32
    %dma_start3A_65 = tpu.memref_slice %arg7[%dma_start3A_64] : memref<512xi32, #tpu.memory_space<vmem>> -> memref<128xi32, #tpu.memory_space<vmem>>
    %dma_start3A_66 = arith.constant 0 : i32
    %dma_start3A_67 = arith.constant 0 : i32
    %dma_start3A_68 = tpu.memref_slice %arg4[%dma_start3A_66, %dma_start3A_67] : memref<100000x128xf32, #tpu.memory_space<hbm>> -> memref<100000x128xf32, #tpu.memory_space<hbm>>
    tpu.enqueue_indirect_dma source(%dma_start3A_68 : memref<100000x128xf32, #tpu.memory_space<hbm>>) target(%arg11 : memref<128x128xf32, #tpu.memory_space<vmem>>) offsets(%dma_start3A_65 : memref<128xi32, #tpu.memory_space<vmem>>) semaphore(%arg15 : memref<!tpu.dma_semaphore, #tpu.memory_space<semaphore_mem>>)
    %dma_wait3A_69 = arith.constant 0 : i32
    %dma_wait3A_70 = tpu.memref_slice %arg7[%dma_wait3A_69] : memref<512xi32, #tpu.memory_space<vmem>> -> memref<128xi32, #tpu.memory_space<vmem>>
    %dma_wait3A_71 = arith.constant 0 : i32
    %dma_wait3A_72 = arith.constant 0 : i32
    %dma_wait3A_73 = tpu.memref_slice %arg4[%dma_wait3A_71, %dma_wait3A_72] : memref<100000x128xf32, #tpu.memory_space<hbm>> -> memref<100000x128xf32, #tpu.memory_space<hbm>>
    tpu.wait_indirect_dma semaphore(%arg12 : memref<!tpu.dma_semaphore, #tpu.memory_space<semaphore_mem>>) src(%dma_wait3A_73 : memref<100000x128xf32, #tpu.memory_space<hbm>>) dst(%arg8 : memref<128x128xf32, #tpu.memory_space<vmem>>)
    %add3A_74 = arith.constant 0 : i32
    %add3A_75 = arith.addi %mul3A_2, %add3A_74 : i32
    "tpu.region"() ({
      %run_scoped3A = tpu.sem_alloc : memref<!tpu.dma_semaphore, #tpu.memory_space<semaphore_mem>>
      %dma_start3A_97 = arith.constant 0 : i32
      %dma_start3A_98 = arith.constant 64 : i32
      %dma_start3A_99 = tpu.memref_slice %arg8[%dma_start3A_97, %dma_start3A_98] : memref<128x128xf32, #tpu.memory_space<vmem>> -> memref<128x64xf32, #tpu.memory_space<vmem>>
      %dma_start3A_100 = arith.constant 64 : i32
      %dma_start3A_101 = tpu.memref_slice %arg5[%add3A_75, %dma_start3A_100] : memref<16384x128xf32, #tpu.memory_space<hbm>> -> memref<128x64xf32, #tpu.memory_space<hbm>>
      %dma_start3A_102 = arith.constant 64 : i32
      %dma_start3A_103 = tpu.memref_slice %arg5[%add3A_75, %dma_start3A_102] : memref<16384x128xf32, #tpu.memory_space<hbm>> -> memref<128x64xf32, #tpu.memory_space<hbm>>
      %dma_start3A_104 = arith.constant 0 : i32
      %dma_start3A_105 = arith.constant 64 : i32
      %dma_start3A_106 = tpu.memref_slice %arg8[%dma_start3A_104, %dma_start3A_105] : memref<128x128xf32, #tpu.memory_space<vmem>> -> memref<128x64xf32, #tpu.memory_space<vmem>>
      tpu.enqueue_dma source(%dma_start3A_106 : memref<128x64xf32, #tpu.memory_space<vmem>>) target(%dma_start3A_103 : memref<128x64xf32, #tpu.memory_space<hbm>>) target_semaphore(%run_scoped3A : memref<!tpu.dma_semaphore, #tpu.memory_space<semaphore_mem>>)
      %dma_wait3A_107 = arith.constant 0 : i32
      %dma_wait3A_108 = arith.constant 64 : i32
      %dma_wait3A_109 = tpu.memref_slice %arg8[%dma_wait3A_107, %dma_wait3A_108] : memref<128x128xf32, #tpu.memory_space<vmem>> -> memref<128x64xf32, #tpu.memory_space<vmem>>
      %dma_wait3A_110 = arith.constant 64 : i32
      %dma_wait3A_111 = tpu.memref_slice %arg5[%add3A_75, %dma_wait3A_110] : memref<16384x128xf32, #tpu.memory_space<hbm>> -> memref<128x64xf32, #tpu.memory_space<hbm>>
      %dma_wait3A_112 = arith.constant 64 : i32
      %dma_wait3A_113 = tpu.memref_slice %arg5[%add3A_75, %dma_wait3A_112] : memref<16384x128xf32, #tpu.memory_space<hbm>> -> memref<128x64xf32, #tpu.memory_space<hbm>>
      %dma_wait3A_114 = arith.constant 0 : i32
      %dma_wait3A_115 = arith.constant 64 : i32
      %dma_wait3A_116 = tpu.memref_slice %arg8[%dma_wait3A_114, %dma_wait3A_115] : memref<128x128xf32, #tpu.memory_space<vmem>> -> memref<128x64xf32, #tpu.memory_space<vmem>>
      tpu.wait_dma2 semaphore(%run_scoped3A : memref<!tpu.dma_semaphore, #tpu.memory_space<semaphore_mem>>) src(%dma_wait3A_116 : memref<128x64xf32, #tpu.memory_space<vmem>>) dst(%dma_wait3A_113 : memref<128x64xf32, #tpu.memory_space<hbm>>)
      tpu.yield
    }) : () -> ()
    %dma_wait3A_76 = arith.constant 128 : i32
    %dma_wait3A_77 = tpu.memref_slice %arg7[%dma_wait3A_76] : memref<512xi32, #tpu.memory_space<vmem>> -> memref<128xi32, #tpu.memory_space<vmem>>
    %dma_wait3A_78 = arith.constant 0 : i32
    %dma_wait3A_79 = arith.constant 0 : i32
    %dma_wait3A_80 = tpu.memref_slice %arg4[%dma_wait3A_78, %dma_wait3A_79] : memref<100000x128xf32, #tpu.memory_space<hbm>> -> memref<100000x128xf32, #tpu.memory_space<hbm>>
    tpu.wait_indirect_dma semaphore(%arg13 : memref<!tpu.dma_semaphore, #tpu.memory_space<semaphore_mem>>) src(%dma_wait3A_80 : memref<100000x128xf32, #tpu.memory_space<hbm>>) dst(%arg9 : memref<128x128xf32, #tpu.memory_space<vmem>>)
    %add3A_81 = arith.constant 128 : i32
    %add3A_82 = arith.addi %mul3A_2, %add3A_81 : i32
    "tpu.region"() ({
      %run_scoped3A = tpu.sem_alloc : memref<!tpu.dma_semaphore, #tpu.memory_space<semaphore_mem>>
      %dma_start3A_97 = arith.constant 0 : i32
      %dma_start3A_98 = arith.constant 64 : i32
      %dma_start3A_99 = tpu.memref_slice %arg9[%dma_start3A_97, %dma_start3A_98] : memref<128x128xf32, #tpu.memory_space<vmem>> -> memref<128x64xf32, #tpu.memory_space<vmem>>
      %dma_start3A_100 = arith.constant 64 : i32
      %dma_start3A_101 = tpu.memref_slice %arg5[%add3A_82, %dma_start3A_100] : memref<16384x128xf32, #tpu.memory_space<hbm>> -> memref<128x64xf32, #tpu.memory_space<hbm>>
      %dma_start3A_102 = arith.constant 64 : i32
      %dma_start3A_103 = tpu.memref_slice %arg5[%add3A_82, %dma_start3A_102] : memref<16384x128xf32, #tpu.memory_space<hbm>> -> memref<128x64xf32, #tpu.memory_space<hbm>>
      %dma_start3A_104 = arith.constant 0 : i32
      %dma_start3A_105 = arith.constant 64 : i32
      %dma_start3A_106 = tpu.memref_slice %arg9[%dma_start3A_104, %dma_start3A_105] : memref<128x128xf32, #tpu.memory_space<vmem>> -> memref<128x64xf32, #tpu.memory_space<vmem>>
      tpu.enqueue_dma source(%dma_start3A_106 : memref<128x64xf32, #tpu.memory_space<vmem>>) target(%dma_start3A_103 : memref<128x64xf32, #tpu.memory_space<hbm>>) target_semaphore(%run_scoped3A : memref<!tpu.dma_semaphore, #tpu.memory_space<semaphore_mem>>)
      %dma_wait3A_107 = arith.constant 0 : i32
      %dma_wait3A_108 = arith.constant 64 : i32
      %dma_wait3A_109 = tpu.memref_slice %arg9[%dma_wait3A_107, %dma_wait3A_108] : memref<128x128xf32, #tpu.memory_space<vmem>> -> memref<128x64xf32, #tpu.memory_space<vmem>>
      %dma_wait3A_110 = arith.constant 64 : i32
      %dma_wait3A_111 = tpu.memref_slice %arg5[%add3A_82, %dma_wait3A_110] : memref<16384x128xf32, #tpu.memory_space<hbm>> -> memref<128x64xf32, #tpu.memory_space<hbm>>
      %dma_wait3A_112 = arith.constant 64 : i32
      %dma_wait3A_113 = tpu.memref_slice %arg5[%add3A_82, %dma_wait3A_112] : memref<16384x128xf32, #tpu.memory_space<hbm>> -> memref<128x64xf32, #tpu.memory_space<hbm>>
      %dma_wait3A_114 = arith.constant 0 : i32
      %dma_wait3A_115 = arith.constant 64 : i32
      %dma_wait3A_116 = tpu.memref_slice %arg9[%dma_wait3A_114, %dma_wait3A_115] : memref<128x128xf32, #tpu.memory_space<vmem>> -> memref<128x64xf32, #tpu.memory_space<vmem>>
      tpu.wait_dma2 semaphore(%run_scoped3A : memref<!tpu.dma_semaphore, #tpu.memory_space<semaphore_mem>>) src(%dma_wait3A_116 : memref<128x64xf32, #tpu.memory_space<vmem>>) dst(%dma_wait3A_113 : memref<128x64xf32, #tpu.memory_space<hbm>>)
      tpu.yield
    }) : () -> ()
    %dma_wait3A_83 = arith.constant 256 : i32
    %dma_wait3A_84 = tpu.memref_slice %arg7[%dma_wait3A_83] : memref<512xi32, #tpu.memory_space<vmem>> -> memref<128xi32, #tpu.memory_space<vmem>>
    %dma_wait3A_85 = arith.constant 0 : i32
    %dma_wait3A_86 = arith.constant 0 : i32
    %dma_wait3A_87 = tpu.memref_slice %arg4[%dma_wait3A_85, %dma_wait3A_86] : memref<100000x128xf32, #tpu.memory_space<hbm>> -> memref<100000x128xf32, #tpu.memory_space<hbm>>
    tpu.wait_indirect_dma semaphore(%arg14 : memref<!tpu.dma_semaphore, #tpu.memory_space<semaphore_mem>>) src(%dma_wait3A_87 : memref<100000x128xf32, #tpu.memory_space<hbm>>) dst(%arg10 : memref<128x128xf32, #tpu.memory_space<vmem>>)
    %add3A_88 = arith.constant 256 : i32
    %add3A_89 = arith.addi %mul3A_2, %add3A_88 : i32
    "tpu.region"() ({
      %run_scoped3A = tpu.sem_alloc : memref<!tpu.dma_semaphore, #tpu.memory_space<semaphore_mem>>
      %dma_start3A_97 = arith.constant 0 : i32
      %dma_start3A_98 = arith.constant 64 : i32
      %dma_start3A_99 = tpu.memref_slice %arg10[%dma_start3A_97, %dma_start3A_98] : memref<128x128xf32, #tpu.memory_space<vmem>> -> memref<128x64xf32, #tpu.memory_space<vmem>>
      %dma_start3A_100 = arith.constant 64 : i32
      %dma_start3A_101 = tpu.memref_slice %arg5[%add3A_89, %dma_start3A_100] : memref<16384x128xf32, #tpu.memory_space<hbm>> -> memref<128x64xf32, #tpu.memory_space<hbm>>
      %dma_start3A_102 = arith.constant 64 : i32
      %dma_start3A_103 = tpu.memref_slice %arg5[%add3A_89, %dma_start3A_102] : memref<16384x128xf32, #tpu.memory_space<hbm>> -> memref<128x64xf32, #tpu.memory_space<hbm>>
      %dma_start3A_104 = arith.constant 0 : i32
      %dma_start3A_105 = arith.constant 64 : i32
      %dma_start3A_106 = tpu.memref_slice %arg10[%dma_start3A_104, %dma_start3A_105] : memref<128x128xf32, #tpu.memory_space<vmem>> -> memref<128x64xf32, #tpu.memory_space<vmem>>
      tpu.enqueue_dma source(%dma_start3A_106 : memref<128x64xf32, #tpu.memory_space<vmem>>) target(%dma_start3A_103 : memref<128x64xf32, #tpu.memory_space<hbm>>) target_semaphore(%run_scoped3A : memref<!tpu.dma_semaphore, #tpu.memory_space<semaphore_mem>>)
      %dma_wait3A_107 = arith.constant 0 : i32
      %dma_wait3A_108 = arith.constant 64 : i32
      %dma_wait3A_109 = tpu.memref_slice %arg10[%dma_wait3A_107, %dma_wait3A_108] : memref<128x128xf32, #tpu.memory_space<vmem>> -> memref<128x64xf32, #tpu.memory_space<vmem>>
      %dma_wait3A_110 = arith.constant 64 : i32
      %dma_wait3A_111 = tpu.memref_slice %arg5[%add3A_89, %dma_wait3A_110] : memref<16384x128xf32, #tpu.memory_space<hbm>> -> memref<128x64xf32, #tpu.memory_space<hbm>>
      %dma_wait3A_112 = arith.constant 64 : i32
      %dma_wait3A_113 = tpu.memref_slice %arg5[%add3A_89, %dma_wait3A_112] : memref<16384x128xf32, #tpu.memory_space<hbm>> -> memref<128x64xf32, #tpu.memory_space<hbm>>
      %dma_wait3A_114 = arith.constant 0 : i32
      %dma_wait3A_115 = arith.constant 64 : i32
      %dma_wait3A_116 = tpu.memref_slice %arg10[%dma_wait3A_114, %dma_wait3A_115] : memref<128x128xf32, #tpu.memory_space<vmem>> -> memref<128x64xf32, #tpu.memory_space<vmem>>
      tpu.wait_dma2 semaphore(%run_scoped3A : memref<!tpu.dma_semaphore, #tpu.memory_space<semaphore_mem>>) src(%dma_wait3A_116 : memref<128x64xf32, #tpu.memory_space<vmem>>) dst(%dma_wait3A_113 : memref<128x64xf32, #tpu.memory_space<hbm>>)
      tpu.yield
    }) : () -> ()
    %dma_wait3A_90 = arith.constant 384 : i32
    %dma_wait3A_91 = tpu.memref_slice %arg7[%dma_wait3A_90] : memref<512xi32, #tpu.memory_space<vmem>> -> memref<128xi32, #tpu.memory_space<vmem>>
    %dma_wait3A_92 = arith.constant 0 : i32
    %dma_wait3A_93 = arith.constant 0 : i32
    %dma_wait3A_94 = tpu.memref_slice %arg4[%dma_wait3A_92, %dma_wait3A_93] : memref<100000x128xf32, #tpu.memory_space<hbm>> -> memref<100000x128xf32, #tpu.memory_space<hbm>>
    tpu.wait_indirect_dma semaphore(%arg15 : memref<!tpu.dma_semaphore, #tpu.memory_space<semaphore_mem>>) src(%dma_wait3A_94 : memref<100000x128xf32, #tpu.memory_space<hbm>>) dst(%arg11 : memref<128x128xf32, #tpu.memory_space<vmem>>)
    %add3A_95 = arith.constant 384 : i32
    %add3A_96 = arith.addi %mul3A_2, %add3A_95 : i32
    "tpu.region"() ({
      %run_scoped3A = tpu.sem_alloc : memref<!tpu.dma_semaphore, #tpu.memory_space<semaphore_mem>>
      %dma_start3A_97 = arith.constant 0 : i32
      %dma_start3A_98 = arith.constant 64 : i32
      %dma_start3A_99 = tpu.memref_slice %arg11[%dma_start3A_97, %dma_start3A_98] : memref<128x128xf32, #tpu.memory_space<vmem>> -> memref<128x64xf32, #tpu.memory_space<vmem>>
      %dma_start3A_100 = arith.constant 64 : i32
      %dma_start3A_101 = tpu.memref_slice %arg5[%add3A_96, %dma_start3A_100] : memref<16384x128xf32, #tpu.memory_space<hbm>> -> memref<128x64xf32, #tpu.memory_space<hbm>>
      %dma_start3A_102 = arith.constant 64 : i32
      %dma_start3A_103 = tpu.memref_slice %arg5[%add3A_96, %dma_start3A_102] : memref<16384x128xf32, #tpu.memory_space<hbm>> -> memref<128x64xf32, #tpu.memory_space<hbm>>
      %dma_start3A_104 = arith.constant 0 : i32
      %dma_start3A_105 = arith.constant 64 : i32
      %dma_start3A_106 = tpu.memref_slice %arg11[%dma_start3A_104, %dma_start3A_105] : memref<128x128xf32, #tpu.memory_space<vmem>> -> memref<128x64xf32, #tpu.memory_space<vmem>>
      tpu.enqueue_dma source(%dma_start3A_106 : memref<128x64xf32, #tpu.memory_space<vmem>>) target(%dma_start3A_103 : memref<128x64xf32, #tpu.memory_space<hbm>>) target_semaphore(%run_scoped3A : memref<!tpu.dma_semaphore, #tpu.memory_space<semaphore_mem>>)
      %dma_wait3A_107 = arith.constant 0 : i32
      %dma_wait3A_108 = arith.constant 64 : i32
      %dma_wait3A_109 = tpu.memref_slice %arg11[%dma_wait3A_107, %dma_wait3A_108] : memref<128x128xf32, #tpu.memory_space<vmem>> -> memref<128x64xf32, #tpu.memory_space<vmem>>
      %dma_wait3A_110 = arith.constant 64 : i32
      %dma_wait3A_111 = tpu.memref_slice %arg5[%add3A_96, %dma_wait3A_110] : memref<16384x128xf32, #tpu.memory_space<hbm>> -> memref<128x64xf32, #tpu.memory_space<hbm>>
      %dma_wait3A_112 = arith.constant 64 : i32
      %dma_wait3A_113 = tpu.memref_slice %arg5[%add3A_96, %dma_wait3A_112] : memref<16384x128xf32, #tpu.memory_space<hbm>> -> memref<128x64xf32, #tpu.memory_space<hbm>>
      %dma_wait3A_114 = arith.constant 0 : i32
      %dma_wait3A_115 = arith.constant 64 : i32
      %dma_wait3A_116 = tpu.memref_slice %arg11[%dma_wait3A_114, %dma_wait3A_115] : memref<128x128xf32, #tpu.memory_space<vmem>> -> memref<128x64xf32, #tpu.memory_space<vmem>>
      tpu.wait_dma2 semaphore(%run_scoped3A : memref<!tpu.dma_semaphore, #tpu.memory_space<semaphore_mem>>) src(%dma_wait3A_116 : memref<128x64xf32, #tpu.memory_space<vmem>>) dst(%dma_wait3A_113 : memref<128x64xf32, #tpu.memory_space<hbm>>)
      tpu.yield
    }) : () -> ()
    return
  }
}

module attributes {stable_mosaic.version = 14 : i64} {
  func.func @_transcat_body(%arg0: i32, %arg1: memref<64x8192xf32, #tpu.memory_space<vmem>>, %arg2: memref<64x8192xf32, #tpu.memory_space<vmem>>, %arg3: memref<64x8192xf32, #tpu.memory_space<vmem>>, %arg4: memref<64x8192xf32, #tpu.memory_space<vmem>>, %arg5: memref<8192x128xf32, #tpu.memory_space<vmem>>) attributes {dimension_semantics = [#tpu.dimension_semantics<arbitrary>], iteration_bounds = array<i64: 13>, scalar_prefetch = 0 : i64, scratch_operands = 0 : i64, tpu.core_type = #tpu.core_type<tc>, window_params = [{transform_indices = @transform_0, window_bounds = array<i64: 64, 8192>}, {transform_indices = @transform_1, window_bounds = array<i64: 64, 8192>}, {transform_indices = @transform_2, window_bounds = array<i64: 64, 8192>}, {transform_indices = @transform_3, window_bounds = array<i64: 64, 8192>}, {transform_indices = @transform_4, window_bounds = array<i64: 8192, 128>}]} {
    %get3A = arith.constant 0 : index
    %get3A_0 = arith.constant 0 : index
    %get3A_1 = vector.load %arg1[%get3A, %get3A_0] : memref<64x8192xf32, #tpu.memory_space<vmem>>, vector<64x8192xf32>
    %convert_element_type3A = arith.truncf %get3A_1 : vector<64x8192xf32> to vector<64x8192xbf16>
    %bitcast_convert_type3A = tpu.bitcast %convert_element_type3A : vector<64x8192xbf16> -> vector<64x8192xi16>
    %convert_element_type3A_2 = arith.extui %bitcast_convert_type3A : vector<64x8192xi16> to vector<64x8192xi32>
    %get3A_3 = arith.constant 0 : index
    %get3A_4 = arith.constant 0 : index
    %get3A_5 = vector.load %arg2[%get3A_3, %get3A_4] : memref<64x8192xf32, #tpu.memory_space<vmem>>, vector<64x8192xf32>
    %convert_element_type3A_6 = arith.truncf %get3A_5 : vector<64x8192xf32> to vector<64x8192xbf16>
    %bitcast_convert_type3A_7 = tpu.bitcast %convert_element_type3A_6 : vector<64x8192xbf16> -> vector<64x8192xi16>
    %convert_element_type3A_8 = arith.extui %bitcast_convert_type3A_7 : vector<64x8192xi16> to vector<64x8192xi32>
    %shift_left3A = arith.constant 16 : i32
    %shift_left3A_9 = vector.broadcast %shift_left3A : i32 to vector<64x8192xi32>
    %shift_left3A_10 = arith.shli %convert_element_type3A_8, %shift_left3A_9 : vector<64x8192xi32>
    %or3A = arith.ori %convert_element_type3A_2, %shift_left3A_10 : vector<64x8192xi32>
    %bitcast_convert_type3A_11 = tpu.bitcast %or3A : vector<64x8192xi32> -> vector<64x8192xf32>
    %transpose3A = tpu.transpose %bitcast_convert_type3A_11, [1, 0] : vector<64x8192xf32> -> vector<8192x64xf32>
    %get3A_12 = arith.constant 0 : index
    %get3A_13 = arith.constant 0 : index
    %get3A_14 = vector.load %arg3[%get3A_12, %get3A_13] : memref<64x8192xf32, #tpu.memory_space<vmem>>, vector<64x8192xf32>
    %convert_element_type3A_15 = arith.truncf %get3A_14 : vector<64x8192xf32> to vector<64x8192xbf16>
    %bitcast_convert_type3A_16 = tpu.bitcast %convert_element_type3A_15 : vector<64x8192xbf16> -> vector<64x8192xi16>
    %convert_element_type3A_17 = arith.extui %bitcast_convert_type3A_16 : vector<64x8192xi16> to vector<64x8192xi32>
    %get3A_18 = arith.constant 0 : index
    %get3A_19 = arith.constant 0 : index
    %get3A_20 = vector.load %arg4[%get3A_18, %get3A_19] : memref<64x8192xf32, #tpu.memory_space<vmem>>, vector<64x8192xf32>
    %convert_element_type3A_21 = arith.truncf %get3A_20 : vector<64x8192xf32> to vector<64x8192xbf16>
    %bitcast_convert_type3A_22 = tpu.bitcast %convert_element_type3A_21 : vector<64x8192xbf16> -> vector<64x8192xi16>
    %convert_element_type3A_23 = arith.extui %bitcast_convert_type3A_22 : vector<64x8192xi16> to vector<64x8192xi32>
    %shift_left3A_24 = arith.constant 16 : i32
    %shift_left3A_25 = vector.broadcast %shift_left3A_24 : i32 to vector<64x8192xi32>
    %shift_left3A_26 = arith.shli %convert_element_type3A_23, %shift_left3A_25 : vector<64x8192xi32>
    %or3A_27 = arith.ori %convert_element_type3A_17, %shift_left3A_26 : vector<64x8192xi32>
    %bitcast_convert_type3A_28 = tpu.bitcast %or3A_27 : vector<64x8192xi32> -> vector<64x8192xf32>
    %transpose3A_29 = tpu.transpose %bitcast_convert_type3A_28, [1, 0] : vector<64x8192xf32> -> vector<8192x64xf32>
    %concatenate3A = tpu.concatenate %transpose3A, %transpose3A_29 in 1 : vector<8192x64xf32>, vector<8192x64xf32> -> vector<8192x128xf32>
    %swap3A = arith.constant 0 : index
    %swap3A_30 = arith.constant 0 : index
    %swap3A_31 = vector.load %arg5[%swap3A, %swap3A_30] : memref<8192x128xf32, #tpu.memory_space<vmem>>, vector<8192x128xf32>
    tpu.vector_store %arg5[%swap3A, %swap3A_30], %concatenate3A {strides = array<i32>} : memref<8192x128xf32, #tpu.memory_space<vmem>>, vector<8192x128xf32>,
    return
  }
  func.func @transform_0(%arg0: i32) -> (i32, i32) {
    %c0_i32 = arith.constant 0 : i32
    %c0_i32_0 = arith.constant 0 : i32
    return %c0_i32, %arg0 : i32, i32
  }
  func.func @transform_1(%arg0: i32) -> (i32, i32) {
    %c0_i32 = arith.constant 0 : i32
    %c0_i32_0 = arith.constant 0 : i32
    return %c0_i32, %arg0 : i32, i32
  }
  func.func @transform_2(%arg0: i32) -> (i32, i32) {
    %c0_i32 = arith.constant 0 : i32
    %c0_i32_0 = arith.constant 0 : i32
    return %c0_i32, %arg0 : i32, i32
  }
  func.func @transform_3(%arg0: i32) -> (i32, i32) {
    %c0_i32 = arith.constant 0 : i32
    %c0_i32_0 = arith.constant 0 : i32
    return %c0_i32, %arg0 : i32, i32
  }
  func.func @transform_4(%arg0: i32) -> (i32, i32) {
    %c0_i32 = arith.constant 0 : i32
    %c0_i32_0 = arith.constant 0 : i32
    return %arg0, %c0_i32 : i32, i32
  }
}

module attributes {stable_mosaic.version = 14 : i64} {
  func.func @_dense_body(%arg0: i32, %arg1: i32, %arg2: memref<4096x128xf32, #tpu.memory_space<vmem>>, %arg3: memref<64x128xbf16, #tpu.memory_space<vmem>>, %arg4: memref<64x128xbf16, #tpu.memory_space<vmem>>, %arg5: memref<1x128xf32, #tpu.memory_space<vmem>>, %arg6: memref<1x128xf32, #tpu.memory_space<vmem>>, %arg7: memref<1x128xf32, #tpu.memory_space<vmem>>, %arg8: memref<128x64xbf16, #tpu.memory_space<vmem>>, %arg9: memref<1x64xf32, #tpu.memory_space<vmem>>, %arg10: memref<1x64xf32, #tpu.memory_space<vmem>>, %arg11: memref<1x64xf32, #tpu.memory_space<vmem>>, %arg12: memref<1x64xf32, #tpu.memory_space<vmem>>, %arg13: memref<1x64xf32, #tpu.memory_space<vmem>>, %arg14: memref<1x1xf32, #tpu.memory_space<vmem>>, %arg15: memref<4096xf32, #tpu.memory_space<vmem>>, %arg16: memref<16384x128xbf16, #tpu.memory_space<vmem>>, %arg17: memref<16384x64xbf16, #tpu.memory_space<vmem>>, %arg18: memref<2x128xf32, #tpu.memory_space<vmem>>, %arg19: memref<16384x64xbf16, #tpu.memory_space<vmem>>, %arg20: memref<2x64xf32, #tpu.memory_space<vmem>>) attributes {dimension_semantics = [#tpu.dimension_semantics<arbitrary>, #tpu.dimension_semantics<arbitrary>], iteration_bounds = array<i64: 3, 4>, scalar_prefetch = 0 : i64, scratch_operands = 5 : i64, tpu.core_type = #tpu.core_type<tc>, window_params = [{transform_indices = @transform_0, window_bounds = array<i64: 4096, 128>}, {pipeline_mode = #tpu.pipeline_mode<synchronous>, transform_indices = @transform_1, window_bounds = array<i64: 64, 128>}, {pipeline_mode = #tpu.pipeline_mode<synchronous>, transform_indices = @transform_2, window_bounds = array<i64: 64, 128>}, {pipeline_mode = #tpu.pipeline_mode<synchronous>, transform_indices = @transform_3, window_bounds = array<i64: 1, 128>}, {pipeline_mode = #tpu.pipeline_mode<synchronous>, transform_indices = @transform_4, window_bounds = array<i64: 1, 128>}, {pipeline_mode = #tpu.pipeline_mode<synchronous>, transform_indices = @transform_5, window_bounds = array<i64: 1, 128>}, {pipeline_mode = #tpu.pipeline_mode<synchronous>, transform_indices = @transform_6, window_bounds = array<i64: 128, 64>}, {pipeline_mode = #tpu.pipeline_mode<synchronous>, transform_indices = @transform_7, window_bounds = array<i64: 1, 64>}, {pipeline_mode = #tpu.pipeline_mode<synchronous>, transform_indices = @transform_8, window_bounds = array<i64: 1, 64>}, {pipeline_mode = #tpu.pipeline_mode<synchronous>, transform_indices = @transform_9, window_bounds = array<i64: 1, 64>}, {pipeline_mode = #tpu.pipeline_mode<synchronous>, transform_indices = @transform_10, window_bounds = array<i64: 1, 64>}, {pipeline_mode = #tpu.pipeline_mode<synchronous>, transform_indices = @transform_11, window_bounds = array<i64: 1, 64>}, {pipeline_mode = #tpu.pipeline_mode<synchronous>, transform_indices = @transform_12, window_bounds = array<i64: 1, 1>}, {transform_indices = @transform_13, window_bounds = array<i64: 4096>}]} {
    %mul3A = arith.constant 4096 : i32
    %mul3A_0 = arith.muli %arg1, %mul3A : i32
    %eq3A = arith.constant 0 : i32
    %eq3A_1 = arith.cmpi eq, %arg0, %eq3A : i32
    %convert_element_type3A = arith.extui %eq3A_1 : i1 to i32
    %cond3A = arith.constant 0 : i32
    %cond3A_2 = arith.cmpi ne, %convert_element_type3A, %cond3A : i32
    scf.if %cond3A_2 {
      %get3A = arith.constant 0 : index
      %get3A_13 = arith.constant 0 : index
      %get3A_14 = vector.load %arg2[%get3A, %get3A_13] : memref<4096x128xf32, #tpu.memory_space<vmem>>, vector<4096x128xf32>
      %slice3A = vector.extract_strided_slice %get3A_14 {offsets = [0, 0], sizes = [4096, 64], strides = [1, 1]} : vector<4096x128xf32> to vector<4096x64xf32>
      %bitcast_convert_type3A = tpu.bitcast %slice3A : vector<4096x64xf32> -> vector<4096x64xi32>
      %and3A = arith.constant 65535 : i32
      %and3A_15 = vector.broadcast %and3A : i32 to vector<4096x64xi32>
      %and3A_16 = arith.andi %bitcast_convert_type3A, %and3A_15 : vector<4096x64xi32>
      %convert_element_type3A_17 = arith.trunci %and3A_16 : vector<4096x64xi32> to vector<4096x64xi16>
      %bitcast_convert_type3A_18 = tpu.bitcast %convert_element_type3A_17 : vector<4096x64xi16> -> vector<4096x64xbf16>
      %shift_right_logical3A = arith.constant 16 : i32
      %shift_right_logical3A_19 = vector.broadcast %shift_right_logical3A : i32 to vector<4096x64xi32>
      %shift_right_logical3A_20 = arith.shrui %bitcast_convert_type3A, %shift_right_logical3A_19 : vector<4096x64xi32>
      %convert_element_type3A_21 = arith.trunci %shift_right_logical3A_20 : vector<4096x64xi32> to vector<4096x64xi16>
      %bitcast_convert_type3A_22 = tpu.bitcast %convert_element_type3A_21 : vector<4096x64xi16> -> vector<4096x64xbf16>
      %slice3A_23 = vector.extract_strided_slice %get3A_14 {offsets = [0, 64], sizes = [4096, 64], strides = [1, 1]} : vector<4096x128xf32> to vector<4096x64xf32>
      %bitcast_convert_type3A_24 = tpu.bitcast %slice3A_23 : vector<4096x64xf32> -> vector<4096x64xi32>
      %and3A_25 = arith.constant 65535 : i32
      %and3A_26 = vector.broadcast %and3A_25 : i32 to vector<4096x64xi32>
      %and3A_27 = arith.andi %bitcast_convert_type3A_24, %and3A_26 : vector<4096x64xi32>
      %convert_element_type3A_28 = arith.trunci %and3A_27 : vector<4096x64xi32> to vector<4096x64xi16>
      %bitcast_convert_type3A_29 = tpu.bitcast %convert_element_type3A_28 : vector<4096x64xi16> -> vector<4096x64xbf16>
      %shift_right_logical3A_30 = arith.constant 16 : i32
      %shift_right_logical3A_31 = vector.broadcast %shift_right_logical3A_30 : i32 to vector<4096x64xi32>
      %shift_right_logical3A_32 = arith.shrui %bitcast_convert_type3A_24, %shift_right_logical3A_31 : vector<4096x64xi32>
      %convert_element_type3A_33 = arith.trunci %shift_right_logical3A_32 : vector<4096x64xi32> to vector<4096x64xi16>
      %bitcast_convert_type3A_34 = tpu.bitcast %convert_element_type3A_33 : vector<4096x64xi16> -> vector<4096x64xbf16>
      %get3A_35 = arith.constant 0 : index
      %get3A_36 = arith.constant 0 : index
      %get3A_37 = vector.load %arg3[%get3A_35, %get3A_36] : memref<64x128xbf16, #tpu.memory_space<vmem>>, vector<64x128xbf16>
      %dot_general3A = arith.constant dense<0.000000e+00> : vector<4096x128xf32>
      %dot_general3A_38 = tpu.matmul %bitcast_convert_type3A_22, %get3A_37, %dot_general3A {dimension_numbers = #tpu.dot_dimension_numbers<[1], [0], [0], [1], [0, 0, 1, 1], [], []>, transpose_lhs_hint = false} : vector<4096x64xbf16>, vector<64x128xbf16>, vector<4096x128xf32> -> vector<4096x128xf32>
      %get3A_39 = arith.constant 0 : index
      %get3A_40 = arith.constant 0 : index
      %get3A_41 = vector.load %arg4[%get3A_39, %get3A_40] : memref<64x128xbf16, #tpu.memory_space<vmem>>, vector<64x128xbf16>
      %dot_general3A_42 = arith.constant dense<0.000000e+00> : vector<4096x128xf32>
      %dot_general3A_43 = tpu.matmul %bitcast_convert_type3A_34, %get3A_41, %dot_general3A_42 {dimension_numbers = #tpu.dot_dimension_numbers<[1], [0], [0], [1], [0, 0, 1, 1], [], []>, transpose_lhs_hint = false} : vector<4096x64xbf16>, vector<64x128xbf16>, vector<4096x128xf32> -> vector<4096x128xf32>
      %add3A = arith.addf %dot_general3A_38, %dot_general3A_43 : vector<4096x128xf32>
      %get3A_44 = arith.constant 0 : index
      %get3A_45 = arith.constant 0 : index
      %get3A_46 = vector.load %arg5[%get3A_44, %get3A_45] : memref<1x128xf32, #tpu.memory_space<vmem>>, vector<1x128xf32>
      %add3A_47 = vector.broadcast %get3A_46 : vector<1x128xf32> to vector<4096x128xf32>
      %add3A_48 = arith.addf %add3A, %add3A_47 : vector<4096x128xf32>
      %convert_element_type3A_49 = arith.truncf %add3A_48 : vector<4096x128xf32> to vector<4096x128xbf16>
      %swap3A = arith.index_cast %mul3A_0 : i32 to index
      %swap3A_50 = arith.constant 0 : index
      %swap3A_51 = vector.load %arg16[%swap3A, %swap3A_50] : memref<16384x128xbf16, #tpu.memory_space<vmem>>, vector<4096x128xbf16>
      tpu.vector_store %arg16[%swap3A, %swap3A_50], %convert_element_type3A_49 {strides = array<i32>} : memref<16384x128xbf16, #tpu.memory_space<vmem>>, vector<4096x128xbf16>,
      %convert_element_type3A_52 = arith.extf %bitcast_convert_type3A_18 : vector<4096x64xbf16> to vector<4096x64xf32>
      %convert_element_type3A_53 = arith.extf %bitcast_convert_type3A_29 : vector<4096x64xbf16> to vector<4096x64xf32>
      %mul3A_54 = arith.mulf %convert_element_type3A_52, %convert_element_type3A_53 : vector<4096x64xf32>
      %convert_element_type3A_55 = arith.truncf %mul3A_54 : vector<4096x64xf32> to vector<4096x64xbf16>
      %swap3A_56 = arith.index_cast %mul3A_0 : i32 to index
      %swap3A_57 = arith.constant 0 : index
      %swap3A_58 = vector.load %arg17[%swap3A_56, %swap3A_57] : memref<16384x64xbf16, #tpu.memory_space<vmem>>, vector<4096x64xbf16>
      tpu.vector_store %arg17[%swap3A_56, %swap3A_57], %convert_element_type3A_55 {strides = array<i32>} : memref<16384x64xbf16, #tpu.memory_space<vmem>>, vector<4096x64xbf16>,
      %reduce_sum3A = arith.constant dense<0.000000e+00> : vector<128xf32>
      %reduce_sum3A_59 = vector.multi_reduction <add>, %add3A_48, %reduce_sum3A [0] : vector<4096x128xf32> to vector<128xf32>
      %broadcast_in_dim3A = vector.shape_cast %reduce_sum3A_59 : vector<128xf32> to vector<1x128xf32>
      %mul3A_60 = arith.mulf %add3A_48, %add3A_48 : vector<4096x128xf32>
      %reduce_sum3A_61 = arith.constant dense<0.000000e+00> : vector<128xf32>
      %reduce_sum3A_62 = vector.multi_reduction <add>, %mul3A_60, %reduce_sum3A_61 [0] : vector<4096x128xf32> to vector<128xf32>
      %broadcast_in_dim3A_63 = vector.shape_cast %reduce_sum3A_62 : vector<128xf32> to vector<1x128xf32>
      %concatenate3A = tpu.concatenate %broadcast_in_dim3A, %broadcast_in_dim3A_63 in 0 : vector<1x128xf32>, vector<1x128xf32> -> vector<2x128xf32>
      %eq3A_64 = arith.constant 0 : i32
      %eq3A_65 = arith.cmpi eq, %arg1, %eq3A_64 : i32
      %convert_element_type3A_66 = arith.extui %eq3A_65 : i1 to i32
      %cond3A_67 = arith.constant 0 : i32
      %cond3A_68 = arith.cmpi ne, %convert_element_type3A_66, %cond3A_67 : i32
      scf.if %cond3A_68 {
        %swap3A_73 = arith.constant 0 : index
        %swap3A_74 = arith.constant 0 : index
        %swap3A_75 = vector.load %arg18[%swap3A_73, %swap3A_74] : memref<2x128xf32, #tpu.memory_space<vmem>>, vector<2x128xf32>
        tpu.vector_store %arg18[%swap3A_73, %swap3A_74], %concatenate3A {strides = array<i32>} : memref<2x128xf32, #tpu.memory_space<vmem>>, vector<2x128xf32>,
      } else {
      }
      %gt3A = arith.constant 0 : i32
      %gt3A_69 = arith.cmpi sgt, %arg1, %gt3A : i32
      %convert_element_type3A_70 = arith.extui %gt3A_69 : i1 to i32
      %cond3A_71 = arith.constant 0 : i32
      %cond3A_72 = arith.cmpi ne, %convert_element_type3A_70, %cond3A_71 : i32
      scf.if %cond3A_72 {
        %get3A_73 = arith.constant 0 : index
        %get3A_74 = arith.constant 0 : index
        %get3A_75 = vector.load %arg18[%get3A_73, %get3A_74] : memref<2x128xf32, #tpu.memory_space<vmem>>, vector<2x128xf32>
        %add3A_76 = arith.addf %get3A_75, %concatenate3A : vector<2x128xf32>
        %swap3A_77 = arith.constant 0 : index
        %swap3A_78 = arith.constant 0 : index
        %swap3A_79 = vector.load %arg18[%swap3A_77, %swap3A_78] : memref<2x128xf32, #tpu.memory_space<vmem>>, vector<2x128xf32>
        tpu.vector_store %arg18[%swap3A_77, %swap3A_78], %add3A_76 {strides = array<i32>} : memref<2x128xf32, #tpu.memory_space<vmem>>, vector<2x128xf32>,
      } else {
      }
    } else {
    }
    %eq3A_3 = arith.constant 1 : i32
    %eq3A_4 = arith.cmpi eq, %arg0, %eq3A_3 : i32
    %convert_element_type3A_5 = arith.extui %eq3A_4 : i1 to i32
    %cond3A_6 = arith.constant 0 : i32
    %cond3A_7 = arith.cmpi ne, %convert_element_type3A_5, %cond3A_6 : i32
    scf.if %cond3A_7 {
      %get3A = arith.constant 0 : index
      %get3A_13 = arith.constant 0 : index
      %get3A_14 = vector.load %arg6[%get3A, %get3A_13] : memref<1x128xf32, #tpu.memory_space<vmem>>, vector<1x128xf32>
      %get3A_15 = arith.constant 0 : index
      %get3A_16 = arith.constant 0 : index
      %get3A_17 = vector.load %arg7[%get3A_15, %get3A_16] : memref<1x128xf32, #tpu.memory_space<vmem>>, vector<1x128xf32>
      %get3A_18 = arith.index_cast %mul3A_0 : i32 to index
      %get3A_19 = arith.constant 0 : index
      %get3A_20 = vector.load %arg16[%get3A_18, %get3A_19] : memref<16384x128xbf16, #tpu.memory_space<vmem>>, vector<4096x128xbf16>
      %convert_element_type3A_21 = arith.extf %get3A_20 : vector<4096x128xbf16> to vector<4096x128xf32>
      %get3A_22 = arith.constant 0 : index
      %get3A_23 = arith.constant 0 : index
      %get3A_24 = vector.load %arg18[%get3A_22, %get3A_23] : memref<2x128xf32, #tpu.memory_space<vmem>>, vector<1x128xf32>
      %mul3A_25 = arith.constant 6.10351563E-5 : f32
      %mul3A_26 = vector.broadcast %mul3A_25 : f32 to vector<1x128xf32>
      %mul3A_27 = arith.mulf %get3A_24, %mul3A_26 : vector<1x128xf32>
      %get3A_28 = arith.constant 1 : index
      %get3A_29 = arith.constant 0 : index
      %get3A_30 = vector.load %arg18[%get3A_28, %get3A_29] : memref<2x128xf32, #tpu.memory_space<vmem>>, vector<1x128xf32>
      %mul3A_31 = arith.constant 6.10351563E-5 : f32
      %mul3A_32 = vector.broadcast %mul3A_31 : f32 to vector<1x128xf32>
      %mul3A_33 = arith.mulf %get3A_30, %mul3A_32 : vector<1x128xf32>
      %mul3A_34 = arith.mulf %mul3A_27, %mul3A_27 : vector<1x128xf32>
      %sub3A = arith.subf %mul3A_33, %mul3A_34 : vector<1x128xf32>
      %sub3A_35 = vector.broadcast %mul3A_27 : vector<1x128xf32> to vector<4096x128xf32>
      %sub3A_36 = arith.subf %convert_element_type3A_21, %sub3A_35 : vector<4096x128xf32>
      %add3A = arith.constant 9.99999974E-6 : f32
      %add3A_37 = vector.broadcast %add3A : f32 to vector<1x128xf32>
      %add3A_38 = arith.addf %sub3A, %add3A_37 : vector<1x128xf32>
      %rsqrt3A = math.rsqrt %add3A_38 : vector<1x128xf32>
      %mul3A_39 = vector.broadcast %rsqrt3A : vector<1x128xf32> to vector<4096x128xf32>
      %mul3A_40 = arith.mulf %sub3A_36, %mul3A_39 : vector<4096x128xf32>
      %mul3A_41 = vector.broadcast %get3A_14 : vector<1x128xf32> to vector<4096x128xf32>
      %mul3A_42 = arith.mulf %mul3A_40, %mul3A_41 : vector<4096x128xf32>
      %add3A_43 = vector.broadcast %get3A_17 : vector<1x128xf32> to vector<4096x128xf32>
      %add3A_44 = arith.addf %mul3A_42, %add3A_43 : vector<4096x128xf32>
      %max3A = arith.constant 0.000000e+00 : f32
      %max3A_45 = vector.broadcast %max3A : f32 to vector<4096x128xf32>
      %max3A_46 = arith.maximumf %add3A_44, %max3A_45 : vector<4096x128xf32>
      %convert_element_type3A_47 = arith.truncf %max3A_46 : vector<4096x128xf32> to vector<4096x128xbf16>
      %get3A_48 = arith.constant 0 : index
      %get3A_49 = arith.constant 0 : index
      %get3A_50 = vector.load %arg8[%get3A_48, %get3A_49] : memref<128x64xbf16, #tpu.memory_space<vmem>>, vector<128x64xbf16>
      %dot_general3A = arith.constant dense<0.000000e+00> : vector<4096x64xf32>
      %dot_general3A_51 = tpu.matmul %convert_element_type3A_47, %get3A_50, %dot_general3A {dimension_numbers = #tpu.dot_dimension_numbers<[1], [0], [0], [1], [0, 0, 1, 1], [], []>, transpose_lhs_hint = false} : vector<4096x128xbf16>, vector<128x64xbf16>, vector<4096x64xf32> -> vector<4096x64xf32>
      %get3A_52 = arith.constant 0 : index
      %get3A_53 = arith.constant 0 : index
      %get3A_54 = vector.load %arg9[%get3A_52, %get3A_53] : memref<1x64xf32, #tpu.memory_space<vmem>>, vector<1x64xf32>
      %add3A_55 = vector.broadcast %get3A_54 : vector<1x64xf32> to vector<4096x64xf32>
      %add3A_56 = arith.addf %dot_general3A_51, %add3A_55 : vector<4096x64xf32>
      %convert_element_type3A_57 = arith.truncf %add3A_56 : vector<4096x64xf32> to vector<4096x64xbf16>
      %swap3A = arith.index_cast %mul3A_0 : i32 to index
      %swap3A_58 = arith.constant 0 : index
      %swap3A_59 = vector.load %arg19[%swap3A, %swap3A_58] : memref<16384x64xbf16, #tpu.memory_space<vmem>>, vector<4096x64xbf16>
      tpu.vector_store %arg19[%swap3A, %swap3A_58], %convert_element_type3A_57 {strides = array<i32>} : memref<16384x64xbf16, #tpu.memory_space<vmem>>, vector<4096x64xbf16>,
      %reduce_sum3A = arith.constant dense<0.000000e+00> : vector<64xf32>
      %reduce_sum3A_60 = vector.multi_reduction <add>, %add3A_56, %reduce_sum3A [0] : vector<4096x64xf32> to vector<64xf32>
      %broadcast_in_dim3A = vector.shape_cast %reduce_sum3A_60 : vector<64xf32> to vector<1x64xf32>
      %mul3A_61 = arith.mulf %add3A_56, %add3A_56 : vector<4096x64xf32>
      %reduce_sum3A_62 = arith.constant dense<0.000000e+00> : vector<64xf32>
      %reduce_sum3A_63 = vector.multi_reduction <add>, %mul3A_61, %reduce_sum3A_62 [0] : vector<4096x64xf32> to vector<64xf32>
      %broadcast_in_dim3A_64 = vector.shape_cast %reduce_sum3A_63 : vector<64xf32> to vector<1x64xf32>
      %concatenate3A = tpu.concatenate %broadcast_in_dim3A, %broadcast_in_dim3A_64 in 0 : vector<1x64xf32>, vector<1x64xf32> -> vector<2x64xf32>
      %eq3A_65 = arith.constant 0 : i32
      %eq3A_66 = arith.cmpi eq, %arg1, %eq3A_65 : i32
      %convert_element_type3A_67 = arith.extui %eq3A_66 : i1 to i32
      %cond3A_68 = arith.constant 0 : i32
      %cond3A_69 = arith.cmpi ne, %convert_element_type3A_67, %cond3A_68 : i32
      scf.if %cond3A_69 {
        %swap3A_74 = arith.constant 0 : index
        %swap3A_75 = arith.constant 0 : index
        %swap3A_76 = vector.load %arg20[%swap3A_74, %swap3A_75] : memref<2x64xf32, #tpu.memory_space<vmem>>, vector<2x64xf32>
        tpu.vector_store %arg20[%swap3A_74, %swap3A_75], %concatenate3A {strides = array<i32>} : memref<2x64xf32, #tpu.memory_space<vmem>>, vector<2x64xf32>,
      } else {
      }
      %gt3A = arith.constant 0 : i32
      %gt3A_70 = arith.cmpi sgt, %arg1, %gt3A : i32
      %convert_element_type3A_71 = arith.extui %gt3A_70 : i1 to i32
      %cond3A_72 = arith.constant 0 : i32
      %cond3A_73 = arith.cmpi ne, %convert_element_type3A_71, %cond3A_72 : i32
      scf.if %cond3A_73 {
        %get3A_74 = arith.constant 0 : index
        %get3A_75 = arith.constant 0 : index
        %get3A_76 = vector.load %arg20[%get3A_74, %get3A_75] : memref<2x64xf32, #tpu.memory_space<vmem>>, vector<2x64xf32>
        %add3A_77 = arith.addf %get3A_76, %concatenate3A : vector<2x64xf32>
        %swap3A_78 = arith.constant 0 : index
        %swap3A_79 = arith.constant 0 : index
        %swap3A_80 = vector.load %arg20[%swap3A_78, %swap3A_79] : memref<2x64xf32, #tpu.memory_space<vmem>>, vector<2x64xf32>
        tpu.vector_store %arg20[%swap3A_78, %swap3A_79], %add3A_77 {strides = array<i32>} : memref<2x64xf32, #tpu.memory_space<vmem>>, vector<2x64xf32>,
      } else {
      }
    } else {
    }
    %eq3A_8 = arith.constant 2 : i32
    %eq3A_9 = arith.cmpi eq, %arg0, %eq3A_8 : i32
    %convert_element_type3A_10 = arith.extui %eq3A_9 : i1 to i32
    %cond3A_11 = arith.constant 0 : i32
    %cond3A_12 = arith.cmpi ne, %convert_element_type3A_10, %cond3A_11 : i32
    scf.if %cond3A_12 {
      %get3A = arith.constant 0 : index
      %get3A_13 = arith.constant 0 : index
      %get3A_14 = vector.load %arg10[%get3A, %get3A_13] : memref<1x64xf32, #tpu.memory_space<vmem>>, vector<1x64xf32>
      %get3A_15 = arith.constant 0 : index
      %get3A_16 = arith.constant 0 : index
      %get3A_17 = vector.load %arg11[%get3A_15, %get3A_16] : memref<1x64xf32, #tpu.memory_space<vmem>>, vector<1x64xf32>
      %get3A_18 = arith.index_cast %mul3A_0 : i32 to index
      %get3A_19 = arith.constant 0 : index
      %get3A_20 = vector.load %arg19[%get3A_18, %get3A_19] : memref<16384x64xbf16, #tpu.memory_space<vmem>>, vector<4096x64xbf16>
      %convert_element_type3A_21 = arith.extf %get3A_20 : vector<4096x64xbf16> to vector<4096x64xf32>
      %get3A_22 = arith.constant 0 : index
      %get3A_23 = arith.constant 0 : index
      %get3A_24 = vector.load %arg20[%get3A_22, %get3A_23] : memref<2x64xf32, #tpu.memory_space<vmem>>, vector<1x64xf32>
      %mul3A_25 = arith.constant 6.10351563E-5 : f32
      %mul3A_26 = vector.broadcast %mul3A_25 : f32 to vector<1x64xf32>
      %mul3A_27 = arith.mulf %get3A_24, %mul3A_26 : vector<1x64xf32>
      %get3A_28 = arith.constant 1 : index
      %get3A_29 = arith.constant 0 : index
      %get3A_30 = vector.load %arg20[%get3A_28, %get3A_29] : memref<2x64xf32, #tpu.memory_space<vmem>>, vector<1x64xf32>
      %mul3A_31 = arith.constant 6.10351563E-5 : f32
      %mul3A_32 = vector.broadcast %mul3A_31 : f32 to vector<1x64xf32>
      %mul3A_33 = arith.mulf %get3A_30, %mul3A_32 : vector<1x64xf32>
      %mul3A_34 = arith.mulf %mul3A_27, %mul3A_27 : vector<1x64xf32>
      %sub3A = arith.subf %mul3A_33, %mul3A_34 : vector<1x64xf32>
      %sub3A_35 = vector.broadcast %mul3A_27 : vector<1x64xf32> to vector<4096x64xf32>
      %sub3A_36 = arith.subf %convert_element_type3A_21, %sub3A_35 : vector<4096x64xf32>
      %add3A = arith.constant 9.99999974E-6 : f32
      %add3A_37 = vector.broadcast %add3A : f32 to vector<1x64xf32>
      %add3A_38 = arith.addf %sub3A, %add3A_37 : vector<1x64xf32>
      %rsqrt3A = math.rsqrt %add3A_38 : vector<1x64xf32>
      %mul3A_39 = vector.broadcast %rsqrt3A : vector<1x64xf32> to vector<4096x64xf32>
      %mul3A_40 = arith.mulf %sub3A_36, %mul3A_39 : vector<4096x64xf32>
      %mul3A_41 = vector.broadcast %get3A_14 : vector<1x64xf32> to vector<4096x64xf32>
      %mul3A_42 = arith.mulf %mul3A_40, %mul3A_41 : vector<4096x64xf32>
      %add3A_43 = vector.broadcast %get3A_17 : vector<1x64xf32> to vector<4096x64xf32>
      %add3A_44 = arith.addf %mul3A_42, %add3A_43 : vector<4096x64xf32>
      %max3A = arith.constant 0.000000e+00 : f32
      %max3A_45 = vector.broadcast %max3A : f32 to vector<4096x64xf32>
      %max3A_46 = arith.maximumf %add3A_44, %max3A_45 : vector<4096x64xf32>
      %get3A_47 = arith.index_cast %mul3A_0 : i32 to index
      %get3A_48 = arith.constant 0 : index
      %get3A_49 = vector.load %arg17[%get3A_47, %get3A_48] : memref<16384x64xbf16, #tpu.memory_space<vmem>>, vector<4096x64xbf16>
      %convert_element_type3A_50 = arith.extf %get3A_49 : vector<4096x64xbf16> to vector<4096x64xf32>
      %get3A_51 = arith.constant 0 : index
      %get3A_52 = arith.constant 0 : index
      %get3A_53 = vector.load %arg12[%get3A_51, %get3A_52] : memref<1x64xf32, #tpu.memory_space<vmem>>, vector<1x64xf32>
      %mul3A_54 = vector.broadcast %get3A_53 : vector<1x64xf32> to vector<4096x64xf32>
      %mul3A_55 = arith.mulf %convert_element_type3A_50, %mul3A_54 : vector<4096x64xf32>
      %reduce_sum3A = arith.constant dense<0.000000e+00> : vector<4096xf32>
      %reduce_sum3A_56 = vector.multi_reduction <add>, %mul3A_55, %reduce_sum3A [1] : vector<4096x64xf32> to vector<4096xf32>
      %get3A_57 = arith.constant 0 : index
      %get3A_58 = arith.constant 0 : index
      %get3A_59 = vector.load %arg13[%get3A_57, %get3A_58] : memref<1x64xf32, #tpu.memory_space<vmem>>, vector<1x64xf32>
      %mul3A_60 = vector.broadcast %get3A_59 : vector<1x64xf32> to vector<4096x64xf32>
      %mul3A_61 = arith.mulf %max3A_46, %mul3A_60 : vector<4096x64xf32>
      %reduce_sum3A_62 = arith.constant dense<0.000000e+00> : vector<4096xf32>
      %reduce_sum3A_63 = vector.multi_reduction <add>, %mul3A_61, %reduce_sum3A_62 [1] : vector<4096x64xf32> to vector<4096xf32>
      %add3A_64 = arith.addf %reduce_sum3A_56, %reduce_sum3A_63 : vector<4096xf32>
      %get3A_65 = arith.constant 0 : index
      %get3A_66 = arith.constant 0 : index
      %get3A_67 = vector.load %arg14[%get3A_65, %get3A_66] : memref<1x1xf32, #tpu.memory_space<vmem>>, vector<1x1xf32>
      %get3A_68 = vector.extract %get3A_67[0, 0] : f32 from vector<1x1xf32>
      %add3A_69 = vector.broadcast %get3A_68 : f32 to vector<4096xf32>
      %add3A_70 = arith.addf %add3A_64, %add3A_69 : vector<4096xf32>
      %neg3A = arith.constant 0.000000e+00 : f32
      %neg3A_71 = vector.broadcast %neg3A : f32 to vector<4096xf32>
      %neg3A_72 = arith.subf %neg3A_71, %add3A_70 : vector<4096xf32>
      %exp3A = math.exp %neg3A_72 : vector<4096xf32>
      %add3A_73 = arith.constant 1.000000e+00 : f32
      %add3A_74 = vector.broadcast %add3A_73 : f32 to vector<4096xf32>
      %add3A_75 = arith.addf %add3A_74, %exp3A : vector<4096xf32>
      %div3A = arith.constant 1.000000e+00 : f32
      %div3A_76 = vector.broadcast %div3A : f32 to vector<4096xf32>
      %div3A_77 = arith.divf %div3A_76, %add3A_75 : vector<4096xf32>
      %swap3A = arith.constant 0 : index
      %swap3A_78 = vector.load %arg15[%swap3A] : memref<4096xf32, #tpu.memory_space<vmem>>, vector<4096xf32>
      tpu.vector_store %arg15[%swap3A], %div3A_77 {strides = array<i32>} : memref<4096xf32, #tpu.memory_space<vmem>>, vector<4096xf32>,
    } else {
    }
    return
  }
  func.func @transform_0(%arg0: i32, %arg1: i32) -> (i32, i32) {
    %eq3A = arith.constant 0 : i32
    %eq3A_0 = arith.cmpi eq, %arg0, %eq3A : i32
    %convert_element_type3A = arith.extui %eq3A_0 : i1 to i32
    %mul3A = arith.muli %arg1, %convert_element_type3A : i32
    %c0_i32 = arith.constant 0 : i32
    %c0_i32_1 = arith.constant 0 : i32
    return %mul3A, %c0_i32 : i32, i32
  }
  func.func @transform_1(%arg0: i32, %arg1: i32) -> (i32, i32) {
    %c0_i32 = arith.constant 0 : i32
    %c0_i32_0 = arith.constant 0 : i32
    %c0_i32_1 = arith.constant 0 : i32
    return %c0_i32, %c0_i32_0 : i32, i32
  }
  func.func @transform_2(%arg0: i32, %arg1: i32) -> (i32, i32) {
    %c0_i32 = arith.constant 0 : i32
    %c0_i32_0 = arith.constant 0 : i32
    %c0_i32_1 = arith.constant 0 : i32
    return %c0_i32, %c0_i32_0 : i32, i32
  }
  func.func @transform_3(%arg0: i32, %arg1: i32) -> (i32, i32) {
    %c0_i32 = arith.constant 0 : i32
    %c0_i32_0 = arith.constant 0 : i32
    %c0_i32_1 = arith.constant 0 : i32
    return %c0_i32, %c0_i32_0 : i32, i32
  }
  func.func @transform_4(%arg0: i32, %arg1: i32) -> (i32, i32) {
    %c0_i32 = arith.constant 0 : i32
    %c0_i32_0 = arith.constant 0 : i32
    %c0_i32_1 = arith.constant 0 : i32
    return %c0_i32, %c0_i32_0 : i32, i32
  }
  func.func @transform_5(%arg0: i32, %arg1: i32) -> (i32, i32) {
    %c0_i32 = arith.constant 0 : i32
    %c0_i32_0 = arith.constant 0 : i32
    %c0_i32_1 = arith.constant 0 : i32
    return %c0_i32, %c0_i32_0 : i32, i32
  }
  func.func @transform_6(%arg0: i32, %arg1: i32) -> (i32, i32) {
    %c0_i32 = arith.constant 0 : i32
    %c0_i32_0 = arith.constant 0 : i32
    %c0_i32_1 = arith.constant 0 : i32
    return %c0_i32, %c0_i32_0 : i32, i32
  }
  func.func @transform_7(%arg0: i32, %arg1: i32) -> (i32, i32) {
    %c0_i32 = arith.constant 0 : i32
    %c0_i32_0 = arith.constant 0 : i32
    %c0_i32_1 = arith.constant 0 : i32
    return %c0_i32, %c0_i32_0 : i32, i32
  }
  func.func @transform_8(%arg0: i32, %arg1: i32) -> (i32, i32) {
    %c0_i32 = arith.constant 0 : i32
    %c0_i32_0 = arith.constant 0 : i32
    %c0_i32_1 = arith.constant 0 : i32
    return %c0_i32, %c0_i32_0 : i32, i32
  }
  func.func @transform_9(%arg0: i32, %arg1: i32) -> (i32, i32) {
    %c0_i32 = arith.constant 0 : i32
    %c0_i32_0 = arith.constant 0 : i32
    %c0_i32_1 = arith.constant 0 : i32
    return %c0_i32, %c0_i32_0 : i32, i32
  }
  func.func @transform_10(%arg0: i32, %arg1: i32) -> (i32, i32) {
    %c0_i32 = arith.constant 0 : i32
    %c0_i32_0 = arith.constant 0 : i32
    %c0_i32_1 = arith.constant 0 : i32
    return %c0_i32, %c0_i32_0 : i32, i32
  }
  func.func @transform_11(%arg0: i32, %arg1: i32) -> (i32, i32) {
    %c0_i32 = arith.constant 0 : i32
    %c0_i32_0 = arith.constant 0 : i32
    %c0_i32_1 = arith.constant 0 : i32
    return %c0_i32, %c0_i32_0 : i32, i32
  }
  func.func @transform_12(%arg0: i32, %arg1: i32) -> (i32, i32) {
    %c0_i32 = arith.constant 0 : i32
    %c0_i32_0 = arith.constant 0 : i32
    %c0_i32_1 = arith.constant 0 : i32
    return %c0_i32, %c0_i32_0 : i32, i32
  }
  func.func @transform_13(%arg0: i32, %arg1: i32) -> i32 {
    %c0_i32 = arith.constant 0 : i32
    return %arg1 : i32
  }
}

</mosaic_0001>

<sc_bundles>
// kernel: kernel.5.cloned.1.call-start
scs
__scs_entry_jumppad:
0x0: {  	(pc) =	sbr.rel $0x88, $3  }
0x1: {  	(tag) =	ssettag $0x0;
	lr =	simm.s32 $0x1  }
0x2: {  	[smem:$0x3F91] =	sst lr;
	_ =	strace $0xD0000000  }
0x3: {  	_ = 	snop  }
0x4: {  	_ = 	snop  }
0x5: {  	_ = 	snop  }
0x6: {  	_ = 	snop  }
0x7: {  	_ = 	snop  }
__scs_overlays_trampoline_lowered:
0x8: {  	[smem:$0x3FA0] =	sst s0  }
0x9: {  	[smem:$0x3FA1] =	sst s1  }
0xa: {  	[smem:$0x3FA2] =	sst s2  }
0xb: {  	[smem:$0x3FA3] =	sst s3  }
0xc: {  	[smem:$0x3FA4] =	sst s4  }
0xd: {  	[smem:$0x3FA5] =	sst s5  }
0xe: {  	[smem:$0x3FA6] =	sst s6  }
0xf: {  	[smem:$0x3FA7] =	sst s7  }
0x10: {  	[smem:$0x3FA8] =	sst s8  }
0x11: {  	[smem:$0x3FA9] =	sst s9;
	s0 =	simm.s32 @!p0 $0x0  }
0x12: {  	s1 =	sld [smem:$0x3F8F];
	s0 =	simm.s32 @p0 $0x1  }
0x13: {  	[smem:$0x3FAA] =	sst s0;
	s0 =	simm.s32 @!p1 $0x0  }
0x14: {  	s2 =	sld [smem:$0x3F8E];
	s0 =	simm.s32 @p1 $0x1  }
0x15: {  	[smem:$0x3FAB] =	sst s0;
	s0 =	simm.s32 @!p2 $0x0  }
0x16: {  	s3 =	sld [smem:$0x3FDB];
	s0 =	simm.s32 @p2 $0x1  }
0x17: {  	s4 =	simm.s32 $0x1BF5;
	[smem:$0x3FAD] =	sst s0  }
0x18: {  	s0 =	sld [smem:$0x3F90];
	_ =	swait.ge [sflag:s4], $0x0  }
0x19: {  	s7 =	sld [smem:$0x3F91]  }
0x1a: {  	s8 =	sadd.s32 $0xFFFFE003, lr  }
0x1b: {  	s9 =	sadd.s32 $0xFFFFFEF7, lr;
	s5 =	simm.s32 $0xFFFFFFFF;
	p2 =	slt.u32 s8, $0xFFFFF086  }
0x1c: {  	p1 =	slt.u32 s9, $0xF7A;
	s5 =	simm.s32 @!p2 $0x0  }
0x1d: {  	s5 =	simm.s32 @p1 $0x1;
	p0 =	seq.s32 s7, s2  }
0x1e: {  	s7 =	smul.u32 @!p0 $0xF7A, s2;
	p2 =	seq.s32 @!p0 s5, $0x0  }
0x1f: {  	s9 =	smul.u32 $0xF7A, s1;
	s8 =	simm.s32 @!p0 $0x1BF5;
	p2 =	por !p2, p0  }
0x20: {  	[sflag:s8] =	ssyncset.s32 @!p0 $0xFFFFF086;
	s6 =	sadd.s32 @!p0 s3, s7;
	s7 =	simm.s32 @!p0 $0x108  }
0x21: {  	s3 =	sadd.s32 s3, s9;
	s6 =	sadd.s32 @!p0 $0x88, s6;
	s7 =	simm.s32 @p2 $0x1082  }
0x22: {  	[simem:s7], [sflag:s8] =	dma.local @!p0 [hbm:s6], $0xF7A  }
0x23: {  	s9 =	sor.u32 $0xD0000000, s2;
	s6 =	simm.s32 $0x108;
	_ =	swait.ge @!p0 [sflag:s8], $0x0  }
0x24: {  	s3 =	sadd.s32 $0x88, s3;
	s6 =	simm.s32 @!p1 $0x1082;
	[sflag:s4] =	ssyncset.s32 $0xFFFFF086  }
0x25: {  	[simem:s6], [sflag:s4] =	dma.local [hbm:s3], $0xF7A  }
0x26: {  	[smem:$0x3F91] =	sst s1;
	(tag) =	ssettag s2;
	_ =	strace s9  }
0x27: {  	s1 =	sld [smem:$0x3FA1]  }
0x28: {  	s2 =	sld [smem:$0x3FA2]  }
0x29: {  	s4 =	sld [smem:$0x3FA4]  }
0x2a: {  	p0 =	seq.s32 s5, $0x0;
	s5 =	sld [smem:$0x3FA5]  }
0x2b: {  	s6 =	sld [smem:$0x3FA6]  }
0x2c: {  	s7 =	sld [smem:$0x3FA7]  }
0x2d: {  	s3 =	simm.s32 $0x108;
	s8 =	sld [smem:$0x3FA8]  }
0x2e: {  	s3 =	simm.s32 @!p0 $0x1082;
	s9 =	sld [smem:$0x3FA9]  }
0x2f: {  	lr =	sadd.s32 s0, s3;
	s0 =	sld [smem:$0x3FA0]  }
0x30: {  	s3 =	sld [smem:$0x3FA3]  }
0x31: {  	[smem:$0x3FAC] =	sst s10  }
0x32: {  	s10 =	sld [smem:$0x3FAA];
	_ =	sdelay $0x3  }
0x33: {  	p0 =	seq.s32 s10, $0x1;
	s10 =	sld [smem:$0x3FAC];
	_ =	sdelay $0x3  }
0x34: {  	[smem:$0x3FAC] =	sst s10  }
0x35: {  	s10 =	sld [smem:$0x3FAB];
	_ =	sdelay $0x3  }
0x36: {  	p1 =	seq.s32 s10, $0x1;
	s10 =	sld [smem:$0x3FAC];
	_ =	sdelay $0x3  }
0x37: {  	[smem:$0x3FAC] =	sst s10  }
0x38: {  	s10 =	sld [smem:$0x3FAD]  }
0x39: {  	_ = 	snop;
	(pc) =	sbr.ind lr, $3  }
0x3a: {  	_ = 	snop  }
0x3b: {  	_ = 	snop  }
0x3c: {  	p2 =	seq.s32 s10, $0x1;
	s10 =	sld [smem:$0x3FAC]  }
0x3d: {  	_ =	shalt  }
0x3e: {  	_ =	shalt  }
0x3f: {  	_ =	shalt  }
0x40: {  	_ =	shalt  }
0x41: {  	_ =	shalt  }
0x42: {  	_ =	shalt  }
0x43: {  	_ =	shalt  }
0x44: {  	_ =	shalt  }
0x45: {  	_ =	shalt  }
0x46: {  	_ =	shalt  }
0x47: {  	_ =	shalt  }
0x48: {  	_ =	shalt  }
0x49: {  	_ =	shalt  }
0x4a: {  	_ =	shalt  }
0x4b: {  	_ =	shalt  }
0x4c: {  	_ =	shalt  }
0x4d: {  	_ =	shalt  }
0x4e: {  	_ =	shalt  }
0x4f: {  	_ =	shalt  }
0x50: {  	_ =	shalt  }
0x51: {  	_ =	shalt  }
0x52: {  	_ =	shalt  }
0x53: {  	_ =	shalt  }
0x54: {  	_ =	shalt  }
0x55: {  	_ =	shalt  }
0x56: {  	_ =	shalt  }
0x57: {  	_ =	shalt  }
0x58: {  	_ =	shalt  }
0x59: {  	_ =	shalt  }
0x5a: {  	_ =	shalt  }
0x5b: {  	_ =	shalt  }
0x5c: {  	_ =	shalt  }
0x5d: {  	_ =	shalt  }
0x5e: {  	_ =	shalt  }
0x5f: {  	_ =	shalt  }
0x60: {  	_ =	shalt  }
0x61: {  	_ =	shalt  }
0x62: {  	_ =	shalt  }
0x63: {  	_ =	shalt  }
0x64: {  	_ =	shalt  }
0x65: {  	_ =	shalt  }
0x66: {  	_ =	shalt  }
0x67: {  	_ =	shalt  }
0x68: {  	_ =	shalt  }
0x69: {  	_ =	shalt  }
0x6a: {  	_ =	shalt  }
0x6b: {  	_ =	shalt  }
0x6c: {  	_ =	shalt  }
0x6d: {  	_ =	shalt  }
0x6e: {  	_ =	shalt  }
0x6f: {  	_ =	shalt  }
0x70: {  	_ =	shalt  }
0x71: {  	_ =	shalt  }
0x72: {  	_ =	shalt  }
0x73: {  	_ =	shalt  }
0x74: {  	_ =	shalt  }
0x75: {  	_ =	shalt  }
0x76: {  	_ =	shalt  }
0x77: {  	_ =	shalt  }
0x78: {  	_ =	shalt  }
0x79: {  	_ =	shalt  }
0x7a: {  	_ =	shalt  }
0x7b: {  	_ =	shalt  }
0x7c: {  	_ =	shalt  }
0x7d: {  	_ =	shalt  }
0x7e: {  	_ =	shalt  }
0x7f: {  	_ =	shalt  }
0x80: {  	_ =	shalt  }
0x81: {  	_ =	shalt  }
0x82: {  	_ =	shalt  }
0x83: {  	_ =	shalt  }
0x84: {  	_ =	shalt  }
0x85: {  	_ =	shalt  }
0x86: {  	_ =	shalt  }
0x87: {  	_ =	shalt  }
.Lfunc_end0:
.L_simem_size_0:
called_computation_lowered:
.L_overlay_start_0:
0x88: {  	s2 =	sld [smem:$0x3FD9]  }
0x89: {  	s3 =	sld [smem:$0x3FFE];
	_ =	sdelay $0x1  }
0x8a: {  	s1 =	srdreg.scid  }
0x8b: {  	s0 =	sand.u32 $0x1, s1  }
0x8c: {  	s17 =	sshll.u32 s0, $0xA;
	s2 =	sadd.s32 s3, s2  }
0x8d: {  	s2 =	sadd.s32 s2, s17  }
0x8e: {  	[smem:$0x3FB8] =	sst s2  }
0x8f: {  	_ = 	snop  }
0x90: {  	s2 =	sld [smem:$0x3FC9]  }
0x91: {  	s18 =	sld [smem:$0x3FC8];
	(tm) =	ssettm $0x1  }
0x92: {  	s4 =	sld [smem:$0x3FFB];
	_ =	sdelay $0x3  }
0x93: {  	_ =	strace s4  }
0x94: {  	s4 =	sld [smem:$0x3FFC];
	_ =	sdelay $0x3  }
0x95: {  	_ =	strace s4  }
0x96: {  	s4 =	sld [smem:$0x3FFD];
	_ =	sdelay $0x3  }
0x97: {  	_ =	strace s4  }
0x98: {  	_ =	strace $0x8FFFFFFF  }
0x99: {  	s19 =	sld [smem:$0x3FDB];
	_ =	sdelay $0x1  }
0x9a: {  	s5 =	simm.s32 $_scs_section_size  }
0x9b: {  	s6 =	simm.s32 $_size__tile_overlayer_lowered;
	s7 =	simm.s32 $_tile_overlayer_lowered  }
0x9c: {  	s22 =	simm.s32 $0x1BFF;
	s21 =	sshll.u32 s7, $0x1;
	s4 =	sadd.s32 s5, s19  }
0x9d: {  	s8 =	simm.s32 $0x0;
	s20 =	sshll.u32 s6, $0x1;
	s6 =	sadd.s32 s21, s4  }
0x9e: {  	[timem:s8], [sflag:s22] =	dma.local [hbm:s6], s20  }
0x9f: {  	_ =	swait.ge [sflag:s22], s20  }
0xa0: {  	s5 =	ssub.s32 $0x0, s20;
	[sflag:s22] =	ssyncset.done $0x0  }
0xa1: {  	[sflag:s22] =	ssyncadd.s32 s5;
	_ =	sdelay $0x1  }
0xa2: {  	s23 =	simm.s32 $0x1B8B  }
0xa3: {  	_ =	swait.ge [sflag:s23], $0x1  }
0xa4: {  	[sflag:s23] =	ssyncset.done $0x0  }
0xa5: {  	s25 =	simm.s32 $0x1B8E;
	s24 =	sld [smem:$0x3FFE];
	[sflag:s23] =	ssyncadd.s32 $0xFFFFFFFF  }
0xa6: {  	s26 =	simm.s32 $execute0_lowered;
	[smem:$0x3FD2] =	sst s25  }
0xa7: {  	s6 =	sshll.u32 s26, $0x1;
	_ =	strace $0x80000046;
	[dreg:$0x1] =	wrdreg $0xFFFFFFFF  }
0xa8: {  	s28 =	simm.s32 $_size_execute0_lowered;
	s4 =	sadd.s32 s4, s6;
	[dreg:$0x0] =	wrdreg $0x0  }
0xa9: {  	s6 =	sshll.u32 s28, $0x1;
	[dreg:$0x2] =	wrdreg s4  }
0xaa: {  	[dreg:$0x3] =	wrdreg s6  }
0xab: {  	[dreg:$0x4] =	wrdreg $0xC0  }
0xac: {  	_ =	task [dreg:s8], $0x5FFFF  }
0xad: {  	[dreg:$0x1] =	wrdreg $0xFFFFFFFF  }
0xae: {  	[dreg:$0x0] =	wrdreg $0x60  }
0xaf: {  	[dreg:$0x2] =	wrdreg s2  }
0xb0: {  	[dreg:$0x3] =	wrdreg s18  }
0xb1: {  	[dreg:$0x4] =	wrdreg s24  }
0xb2: {  	[dreg:$0x5] =	wrdreg $0x9  }
0xb3: {  	_ =	task.clear_ibuf [dreg:s8], $0x6FFFF;
	_ =	strace $0x90000046  }
0xb4: {  	s29 =	simm.s32 $0x9;
	_ =	strace $0x80000048  }
0xb5: {  	_ =	swait.ge [sflag:s29], $0x1  }
0xb6: {  	[sflag:s29] =	ssyncadd.s32 $0xFFFFFFFF  }
0xb7: {  	_ =	strace $0x90000048  }
0xb8: {  	_ =	sfence  }
0xb9: {  	s30 =	sld [smem:$0x0];
	_ =	sdelay $0x2  }
0xba: {  	s31 =	sshll.u32 s1, $0xD;
	s1 =	sshrl.u32 s1, $0x2  }
0xbb: {  	s3 =	sand.u32 $0x4000, s31;
	s1 =	sadd.s32 s1, s30  }
0xbc: {  	s0 =	sor.u32 s3, s0;
	s1 =	sshll.u32 s1, $0x11  }
0xbd: {  	s0 =	sor.u32 s1, s0  }
0xbe: {  	s0 =	sadd.s32 $0x8F2B, s0  }
0xbf: {  	[sflag:s0] =	ssyncadd.remote.s32 $0x1  }
0xc0: {  	_ =	sfence.sel $0xFFFF  }
0xc1: {  	[dreg:$0x0] =	wrdreg $0xFFFFFFFF;
	(pc) =	sbr.abs _section_cstart, $3  }
0xc2: {  	[dreg:$0x1] =	wrdreg $0xFFFFFFFF  }
0xc3: {  	_ =	task.clear_ibuf [dreg:s8], $0x2FFFF;
	_ =	strace $0x9FFFFFFF  }
0xc4: {  	(tm) =	ssettm $0x7FFFFFFF  }
0xc5: {  	_ =	shalt  }
tec
execute0_lowered:
.L_overlay_start_1:
0x0: {  	(tag) =	ssettag $0x1  }
0x1: {  	s0 =	rddreg [dreg:$0x0]  }
0x2: {  	s1 =	rddreg [dreg:$0x1]  }
0x3: {  	s4 =	rddreg [dreg:$0x2]  }
0x4: {  	s2 =	srdreg.scid;
	s5 =	stileid.u32  }
0x5: {  	s15 =	simm.s32 $0x5;
	s16 =	simm.s32 $0x200;
	s17 =	simm.s32 $0x80  }
0x6: {  	s18 =	simm.s32 $0x4400;
	s20 =	simm.s32 $0x8400;
	s22 =	simm.s32 $0xC400  }
0x7: {  	s23 =	simm.s32 $0x1;
	s24 =	simm.s32 $0x400;
	s25 =	simm.s32 $0x2  }
0x8: {  	s28 =	simm.s32 $0x3;
	s29 =	simm.s32 $0x300;
	s30 =	simm.s32 $0x4  }
0x9: {  	s31 =	simm.s32 $0x380;
	s3 =	sand.u32 $0x1, s2;
	s2 =	simm.s32 $0x0  }
0xa: {  	s5 =	sshll.u32 s5, $0xA;
	s6 =	sshll.u32 s3, $0x9;
	[smem:$0x7FF] =	sst s2  }
0xb: {  	s7 =	ssub.s32 $0x2, s3;
	s3 =	sadd.s32 $0x1C00, s4;
	s6 =	sor.u32 s6, s5  }
0xc: {  	_ =	strace $0x80000047;
	s26 =	sshrl.u32 s7, $0x1;
	s5 =	sshll.u32 s6, $0x4  }
0xd: {  	s14 =	ssub.s32 s7, s26;
	s11 =	sshrl.u32 s6, $0x3;
	s13 =	sadd.s32 s5, s4  }
0xe: {  	s8 =	sadd.s32 s0, s11;
	s4 =	sadd.s32 $0x188600, s13;
	s5 =	sadd.s32 $0x188E00, s13  }
0xf: {  	s11 =	sadd.s32 s1, s11;
	s6 =	sadd.s32 $0x189600, s13;
	s7 =	sadd.s32 $0x189E00, s13  }
0x10: {  	s14 =	smax.u32 s14, $0x1;
	s9 =	sadd.s32 $0x188608, s13;
	s10 =	sadd.s32 $0x188E08, s13  }
0x11: {  	s0 =	simm.s32 $0x0;
	s12 =	sadd.s32 $0x189608, s13;
	s13 =	sadd.s32 $0x189E08, s13  }
.LBB2_1:
0x12: {  	[tilespmem:s2], [sflag:$0x5] =	stream.linear.gather [hbm4b:s8+s2], $0x200, $0x38;
	[tilespmem:$0x10400] =	vst v63  }
0x13: {  	_ =	swait.ge [sflag:s15], $0x200  }
0x14: {  	[sflag:s15] =	ssyncset.done $0x0  }
0x15: {  	[sflag:s15] =	ssyncadd.s32 $0xFFFFFE00  }
0x16: {  	[tilespmem:s16], [sflag:$0x5] =	stream.linear.gather [hbm4b:s11+s2], $0x200, $0x38;
	[tilespmem:$0x10400] =	vst v63  }
0x17: {  	_ =	swait.ge [sflag:s15], $0x200  }
0x18: {  	[sflag:s15] =	ssyncset.done $0x0  }
0x19: {  	[sflag:s15] =	ssyncadd.s32 $0xFFFFFE00  }
0x1a: {  	[tilespmem:s24], [sflag:$0x1] =	stream.indirect.gather [hbm4b:s3+s17], $0x80, s2, s17, $0xb8;
	[tilespmem:$0x10400] =	vst v63  }
0x1b: {  	_ = 	snop  }
0x1c: {  	[tilespmem:s18], [sflag:$0x2] =	stream.indirect.gather [hbm4b:s3+s17], $0x80, s17, s17, $0xb8;
	[tilespmem:$0x10400] =	vst v63  }
0x1d: {  	s1 =	simm.s32 $0x100  }
0x1e: {  	[tilespmem:s20], [sflag:$0x3] =	stream.indirect.gather [hbm4b:s3+s17], $0x80, s1, s17, $0xb8;
	[tilespmem:$0x10400] =	vst v63  }
0x1f: {  	s26 =	simm.s32 $0x180  }
0x20: {  	[tilespmem:s22], [sflag:$0x4] =	stream.indirect.gather [hbm4b:s3+s17], $0x80, s26, s17, $0xb8;
	[tilespmem:$0x10400] =	vst v63  }
0x21: {  	_ =	swait.ge [sflag:s23], $0x4000  }
0x22: {  	s19 =	simm.s32 $0x480;
	s21 =	simm.s32 $0x400;
	[sflag:s23] =	ssyncset.done $0x0  }
0x23: {  	s1 =	simm.s32 $0x10;
	s26 =	sadd.s32 $0x0, s4;
	[sflag:s23] =	ssyncadd.s32 $0xFFFFC000  }
.LBB2_2:
0x24: {  	[hbm4b:s26+s2] =	stream.linear.scatter [tilespmem:s21], [sflag:$0x5], $0x40, $0x38;
	[tilespmem:$0x10400] =	vst v63  }
0x25: {  	s26 =	smov.u32 s1;
	s21 =	smov.u32 s19;
	p0 =	sne.s32 s1, $0x7F0  }
.Ltmp0:
0x26: {  	s1 =	sadd.s32 $0x10, s1;
	(pc) =	sbr.rel @p0 .LBB2_2-.Ltmp0, $2  }
0x27: {  	_ =	sdelay $0x2  }
0x28: {  	s19 =	sadd.s32 $0x80, s19;
	s26 =	sadd.s32 s26, s4  }
0x29: {  	[hbm4b:s26+s2] =	stream.linear.scatter [tilespmem:s21], [sflag:$0x5], $0x40, $0x38;
	[tilespmem:$0x10400] =	vst v63  }
0x2a: {  	_ =	swait.ge [sflag:s15], $0x2000  }
0x2b: {  	[sflag:s15] =	ssyncset.done $0x0  }
0x2c: {  	[sflag:s15] =	ssyncadd.s32 $0xFFFFE000  }
0x2d: {  	[tilespmem:s24], [sflag:$0x1] =	stream.indirect.gather [hbm4b:s3+s17], $0x80, s16, s17, $0xb8;
	[tilespmem:$0x10400] =	vst v63  }
0x2e: {  	_ =	swait.ge [sflag:s25], $0x4000  }
0x2f: {  	s1 =	simm.s32 $0x4400;
	s19 =	simm.s32 $0x10;
	[sflag:s25] =	ssyncset.done $0x0  }
0x30: {  	s26 =	sadd.s32 $0x0, s5;
	s21 =	simm.s32 $0x4480;
	[sflag:s25] =	ssyncadd.s32 $0xFFFFC000  }
.LBB2_4:
0x31: {  	[hbm4b:s26+s2] =	stream.linear.scatter [tilespmem:s1], [sflag:$0x5], $0x40, $0x38;
	[tilespmem:$0x10400] =	vst v63  }
0x32: {  	s26 =	smov.u32 s19;
	s1 =	smov.u32 s21;
	p0 =	sne.s32 s19, $0x7F0  }
.Ltmp1:
0x33: {  	s19 =	sadd.s32 $0x10, s19;
	(pc) =	sbr.rel @p0 .LBB2_4-.Ltmp1, $2  }
0x34: {  	_ =	sdelay $0x2  }
0x35: {  	s21 =	sadd.s32 $0x80, s21;
	s26 =	sadd.s32 s26, s5  }
0x36: {  	[hbm4b:s26+s2] =	stream.linear.scatter [tilespmem:s1], [sflag:$0x5], $0x40, $0x38;
	[tilespmem:$0x10400] =	vst v63  }
0x37: {  	_ =	swait.ge [sflag:s15], $0x2000  }
0x38: {  	[sflag:s15] =	ssyncset.done $0x0  }
0x39: {  	s26 =	simm.s32 $0x280;
	[sflag:s15] =	ssyncadd.s32 $0xFFFFE000  }
0x3a: {  	[tilespmem:s18], [sflag:$0x2] =	stream.indirect.gather [hbm4b:s3+s17], $0x80, s26, s17, $0xb8;
	[tilespmem:$0x10400] =	vst v63  }
0x3b: {  	_ =	swait.ge [sflag:s28], $0x4000  }
0x3c: {  	s1 =	simm.s32 $0x8400;
	s19 =	simm.s32 $0x10;
	[sflag:s28] =	ssyncset.done $0x0  }
0x3d: {  	s21 =	simm.s32 $0x8480;
	s26 =	sadd.s32 $0x0, s6;
	[sflag:s28] =	ssyncadd.s32 $0xFFFFC000  }
.LBB2_6:
0x3e: {  	[hbm4b:s26+s2] =	stream.linear.scatter [tilespmem:s1], [sflag:$0x5], $0x40, $0x38;
	[tilespmem:$0x10400] =	vst v63  }
0x3f: {  	s26 =	smov.u32 s19;
	s1 =	smov.u32 s21;
	p0 =	sne.s32 s19, $0x7F0  }
.Ltmp2:
0x40: {  	s19 =	sadd.s32 $0x10, s19;
	(pc) =	sbr.rel @p0 .LBB2_6-.Ltmp2, $2  }
0x41: {  	_ =	sdelay $0x2  }
0x42: {  	s21 =	sadd.s32 $0x80, s21;
	s26 =	sadd.s32 s26, s6  }
0x43: {  	[hbm4b:s26+s2] =	stream.linear.scatter [tilespmem:s1], [sflag:$0x5], $0x40, $0x38;
	[tilespmem:$0x10400] =	vst v63  }
0x44: {  	_ =	swait.ge [sflag:s15], $0x2000  }
0x45: {  	[sflag:s15] =	ssyncset.done $0x0  }
0x46: {  	[sflag:s15] =	ssyncadd.s32 $0xFFFFE000  }
0x47: {  	[tilespmem:s20], [sflag:$0x3] =	stream.indirect.gather [hbm4b:s3+s17], $0x80, s29, s17, $0xb8;
	[tilespmem:$0x10400] =	vst v63  }
0x48: {  	_ =	swait.ge [sflag:s30], $0x4000  }
0x49: {  	s1 =	simm.s32 $0xC400;
	s19 =	simm.s32 $0x10;
	[sflag:s30] =	ssyncset.done $0x0  }
0x4a: {  	s26 =	sadd.s32 $0x0, s7;
	s21 =	simm.s32 $0xC480;
	[sflag:s30] =	ssyncadd.s32 $0xFFFFC000  }
.LBB2_8:
0x4b: {  	[hbm4b:s26+s2] =	stream.linear.scatter [tilespmem:s1], [sflag:$0x5], $0x40, $0x38;
	[tilespmem:$0x10400] =	vst v63  }
0x4c: {  	s26 =	smov.u32 s19;
	s1 =	smov.u32 s21;
	p0 =	sne.s32 s19, $0x7F0  }
.Ltmp3:
0x4d: {  	s19 =	sadd.s32 $0x10, s19;
	(pc) =	sbr.rel @p0 .LBB2_8-.Ltmp3, $2  }
0x4e: {  	_ =	sdelay $0x2  }
0x4f: {  	s21 =	sadd.s32 $0x80, s21;
	s26 =	sadd.s32 s26, s7  }
0x50: {  	[hbm4b:s26+s2] =	stream.linear.scatter [tilespmem:s1], [sflag:$0x5], $0x40, $0x38;
	[tilespmem:$0x10400] =	vst v63  }
0x51: {  	_ =	swait.ge [sflag:s15], $0x2000  }
0x52: {  	[sflag:s15] =	ssyncset.done $0x0  }
0x53: {  	[sflag:s15] =	ssyncadd.s32 $0xFFFFE000  }
0x54: {  	[tilespmem:s22], [sflag:$0x4] =	stream.indirect.gather [hbm4b:s3+s17], $0x80, s31, s17, $0xb8;
	[tilespmem:$0x10400] =	vst v63  }
0x55: {  	_ =	swait.ge [sflag:s23], $0x4000  }
0x56: {  	s1 =	simm.s32 $0x440;
	s19 =	simm.s32 $0x10;
	[sflag:s23] =	ssyncset.done $0x0  }
0x57: {  	s26 =	sadd.s32 $0x0, s9;
	s21 =	simm.s32 $0x4C0;
	[sflag:s23] =	ssyncadd.s32 $0xFFFFC000  }
.LBB2_10:
0x58: {  	[hbm4b:s26+s2] =	stream.linear.scatter [tilespmem:s1], [sflag:$0x5], $0x40, $0x38;
	[tilespmem:$0x10400] =	vst v63  }
0x59: {  	s26 =	smov.u32 s19;
	s1 =	smov.u32 s21;
	p0 =	sne.s32 s19, $0x7F0  }
.Ltmp4:
0x5a: {  	s19 =	sadd.s32 $0x10, s19;
	(pc) =	sbr.rel @p0 .LBB2_10-.Ltmp4, $2  }
0x5b: {  	_ =	sdelay $0x2  }
0x5c: {  	s21 =	sadd.s32 $0x80, s21;
	s26 =	sadd.s32 s26, s9  }
0x5d: {  	[hbm4b:s26+s2] =	stream.linear.scatter [tilespmem:s1], [sflag:$0x5], $0x40, $0x38;
	[tilespmem:$0x10400] =	vst v63  }
0x5e: {  	_ =	swait.ge [sflag:s15], $0x2000  }
0x5f: {  	[sflag:s15] =	ssyncset.done $0x0  }
0x60: {  	[sflag:s15] =	ssyncadd.s32 $0xFFFFE000  }
0x61: {  	_ =	swait.ge [sflag:s25], $0x4000  }
0x62: {  	s1 =	simm.s32 $0x4440;
	s19 =	simm.s32 $0x10;
	[sflag:s25] =	ssyncset.done $0x0  }
0x63: {  	s26 =	sadd.s32 $0x0, s10;
	s21 =	simm.s32 $0x44C0;
	[sflag:s25] =	ssyncadd.s32 $0xFFFFC000  }
.LBB2_12:
0x64: {  	[hbm4b:s26+s2] =	stream.linear.scatter [tilespmem:s1], [sflag:$0x5], $0x40, $0x38;
	[tilespmem:$0x10400] =	vst v63  }
0x65: {  	s26 =	smov.u32 s19;
	s1 =	smov.u32 s21;
	p0 =	sne.s32 s19, $0x7F0  }
.Ltmp5:
0x66: {  	s19 =	sadd.s32 $0x10, s19;
	(pc) =	sbr.rel @p0 .LBB2_12-.Ltmp5, $2  }
0x67: {  	_ =	sdelay $0x2  }
0x68: {  	s21 =	sadd.s32 $0x80, s21;
	s26 =	sadd.s32 s26, s10  }
0x69: {  	[hbm4b:s26+s2] =	stream.linear.scatter [tilespmem:s1], [sflag:$0x5], $0x40, $0x38;
	[tilespmem:$0x10400] =	vst v63  }
0x6a: {  	_ =	swait.ge [sflag:s15], $0x2000  }
0x6b: {  	[sflag:s15] =	ssyncset.done $0x0  }
0x6c: {  	[sflag:s15] =	ssyncadd.s32 $0xFFFFE000  }
0x6d: {  	_ =	swait.ge [sflag:s28], $0x4000  }
0x6e: {  	s1 =	simm.s32 $0x8440;
	s19 =	simm.s32 $0x10;
	[sflag:s28] =	ssyncset.done $0x0  }
0x6f: {  	s26 =	sadd.s32 $0x0, s12;
	s21 =	simm.s32 $0x84C0;
	[sflag:s28] =	ssyncadd.s32 $0xFFFFC000  }
.LBB2_14:
0x70: {  	[hbm4b:s26+s2] =	stream.linear.scatter [tilespmem:s1], [sflag:$0x5], $0x40, $0x38;
	[tilespmem:$0x10400] =	vst v63  }
0x71: {  	s26 =	smov.u32 s19;
	s1 =	smov.u32 s21;
	p0 =	sne.s32 s19, $0x7F0  }
.Ltmp6:
0x72: {  	s19 =	sadd.s32 $0x10, s19;
	(pc) =	sbr.rel @p0 .LBB2_14-.Ltmp6, $2  }
0x73: {  	_ =	sdelay $0x2  }
0x74: {  	s21 =	sadd.s32 $0x80, s21;
	s26 =	sadd.s32 s26, s12  }
0x75: {  	[hbm4b:s26+s2] =	stream.linear.scatter [tilespmem:s1], [sflag:$0x5], $0x40, $0x38;
	[tilespmem:$0x10400] =	vst v63  }
0x76: {  	_ =	swait.ge [sflag:s15], $0x2000  }
0x77: {  	[sflag:s15] =	ssyncset.done $0x0  }
0x78: {  	[sflag:s15] =	ssyncadd.s32 $0xFFFFE000  }
0x79: {  	_ =	swait.ge [sflag:s30], $0x4000  }
0x7a: {  	s1 =	simm.s32 $0xC440;
	s19 =	simm.s32 $0x10;
	[sflag:s30] =	ssyncset.done $0x0  }
0x7b: {  	s26 =	sadd.s32 $0x0, s13;
	s21 =	simm.s32 $0xC4C0;
	[sflag:s30] =	ssyncadd.s32 $0xFFFFC000  }
.LBB2_16:
0x7c: {  	[hbm4b:s26+s2] =	stream.linear.scatter [tilespmem:s1], [sflag:$0x5], $0x40, $0x38;
	[tilespmem:$0x10400] =	vst v63  }
0x7d: {  	s26 =	smov.u32 s19;
	s1 =	smov.u32 s21;
	p0 =	sne.s32 s19, $0x7F0  }
.Ltmp7:
0x7e: {  	s19 =	sadd.s32 $0x10, s19;
	(pc) =	sbr.rel @p0 .LBB2_16-.Ltmp7, $2  }
0x7f: {  	_ =	sdelay $0x2  }
0x80: {  	s21 =	sadd.s32 $0x80, s21;
	s26 =	sadd.s32 s26, s13  }
0x81: {  	s0 =	sadd.s32 $0x1, s0  }
0x82: {  	p0 =	sne.s32 s0, s14  }
.Ltmp8:
0x83: {  	_ = 	snop;
	(pc) =	sbr.rel @p0 .LBB2_1-.Ltmp8, $4  }
0x84: {  	[hbm4b:s26+s2] =	stream.linear.scatter [tilespmem:s1], [sflag:$0x5], $0x40, $0x38;
	[tilespmem:$0x10400] =	vst v63  }
0x85: {  	_ =	swait.ge [sflag:s15], $0x2000  }
0x86: {  	[sflag:s15] =	ssyncset.done $0x0  }
0x87: {  	[sflag:s15] =	ssyncadd.s32 $0xFFFFE000  }
0x88: {  	_ =	sfence.sel $0x180000  }
0x89: {  	[bflag:$0x0] =	sbarrier.arrive $0xFFFF  }
0x8a: {  	_ =	strace $0x90000047  }
0x8b: {  	s0 =	stileid.u32;
	[bflag:$0x2] =	sbarrier.arrive $0xFFFF  }
0x8c: {  	p0 =	sne.s32 s0, $0x0;
	s0 =	rddreg [dreg:$0x3]  }
0x8d: {  	s0 =	sadd.s32 @!p0 $0x100000, s0  }
0x8e: {  	[sflag:s0] =	ssyncadd.tile.s32 @!p0 $0x1;
	_ =	shalt  }
.Lfunc_end2:
_tile_overlayer_lowered:
.L_overlay_start_2:
0x8f: {  	(tag) =	ssettag $0x2  }
0x90: {  	s0 =	rddreg [dreg:$0x0];
	s2 =	stileid.u32  }
0x91: {  	s1 =	rddreg [dreg:$0x1];
	p0 =	sne.s32 s2, $0x0  }
0x92: {  	s3 =	rddreg [dreg:$0x2];
	[bflag:$0x3] =	sbarrier.arrive $0xFFFF;
	s2 =	simm.s32 @!p0 $0x1C05  }
0x93: {  	[timem:s3], [sflag:s2] =	dma.local @!p0 [hbm:s0], s1  }
0x94: {  	s0 =	simm.s32 @!p0 $0x5  }
0x95: {  	_ =	swait.ge @!p0 [sflag:s0], s1  }
0x96: {  	s1 =	ssub.s32 @!p0 $0x0, s1;
	[sflag:s0] =	ssyncset.done @!p0 $0x0  }
0x97: {  	[sflag:s0] =	ssyncadd.s32 @!p0 s1  }
0x98: {  	[bflag:$0x3] =	sbarrier.arrive $0xFFFF  }
0x99: {  	_ =	shalt  }

</sc_bundles>
